<compile_context>
chip_gen: v7x
topology: tpu7x:2x2x1
jax: 0.10.2.dev20260603
libtpu: 0.0.44.dev20260713+nightly
codegen_flags: <defaults>
</compile_context>

<pallas_src>
import functools

import jax
import jax.numpy as jnp
from jax import lax
from jax.experimental import pallas as pl
from jax.experimental.pallas import tpu as pltpu
from jax.experimental.pallas import tpu_sc as plsc

_N_PROT = 16
_MAX_LEN = 2048
_N_SPECIES = 64
_N_AAS = 25
_POS = _N_PROT * _MAX_LEN
_NW = 32
_P_PER_W = _POS // _NW
_L = 16
_BLOCKS = _P_PER_W // _L
_ACC = _P_PER_W * _N_AAS


def _pwm_body(ali_hbm, w_hbm, out_hbm, ali_v, out_v, w_v, w_rep, red_v,
              in_sem):
    wid = lax.axis_index("sub") * 2 + lax.axis_index("core")
    pos0 = wid * _P_PER_W

    cp_in = pltpu.async_copy(
        ali_hbm.at[pl.ds(pos0 * _N_SPECIES, _P_PER_W * _N_SPECIES)],
        ali_v, in_sem)
    pltpu.sync_copy(w_hbm, w_v)

    lane16 = lax.iota(jnp.int32, _L)

    def _allreduce(v, op):
        for k in (8, 4, 2, 1):
            red_v[...] = v
            v = op(v, plsc.load_gather(red_v, [lane16 ^ k]))
        return v

    wg = [w_v[pl.ds(g * _L, _L)] for g in range(4)]
    m = jnp.maximum(jnp.maximum(wg[0], wg[1]), jnp.maximum(wg[2], wg[3]))
    mx = _allreduce(m, jnp.maximum)
    eg = [jnp.exp(w - mx) for w in wg]
    tot = eg[0] + eg[1] + eg[2] + eg[3]
    inv = 1.0 / _allreduce(tot, jnp.add)
    for g in range(4):
        w_v[pl.ds(g * _L, _L)] = eg[g] * inv

    for s in range(_N_SPECIES):
        w_rep[pl.ds(s * _L, _L)] = plsc.load_gather(
            w_v, [jnp.full((_L,), s, jnp.int32)])

    zero = jnp.zeros((_L,), jnp.float32)
    _ZU = 8

    @plsc.parallel_loop(0, _ACC // _L, step=_ZU, unroll=2)
    def _zero(i):
        for u in range(_ZU):
            out_v[pl.ds((i + u) * _L, _L)] = zero

    cp_in.wait()

    in_step = lane16 * _N_SPECIES
    out_step = lane16 * _N_AAS

    def _species(s, c):
        w_s = w_rep[pl.ds(s * _L, _L)]

        @plsc.parallel_loop(0, _BLOCKS, unroll=8)
        def _blk(b):
            col = plsc.load_gather(ali_v, [in_step + (b * (_L * _N_SPECIES) + s)])
            plsc.addupdate_scatter(
                out_v, [(out_step + b * (_L * _N_AAS)) + col], w_s)

        return c

    lax.fori_loop(0, _N_SPECIES, _species, 0)

    pltpu.sync_copy(out_v, out_hbm.at[pl.ds(pos0 * _N_AAS, _ACC)])


_pwm = functools.partial(
    pl.kernel,
    out_type=jax.ShapeDtypeStruct((_POS * _N_AAS,), jnp.float32),
    mesh=plsc.VectorSubcoreMesh(core_axis_name="core", subcore_axis_name="sub"),
    compiler_params=pltpu.CompilerParams(needs_layout_passes=False),
    scratch_types=[
        pltpu.VMEM((_P_PER_W * _N_SPECIES,), jnp.int32),
        pltpu.VMEM((_ACC,), jnp.float32),
        pltpu.VMEM((_N_SPECIES,), jnp.float32),
        pltpu.VMEM((_N_SPECIES * _L,), jnp.float32),
        pltpu.VMEM((_L,), jnp.float32),
        pltpu.SemaphoreType.DMA,
    ],
)(_pwm_body)


@jax.jit
def kernel(alis0based, weights):
    ali_flat = alis0based.astype(jnp.int32).reshape((-1,))
    out = _pwm(ali_flat, weights.astype(jnp.float32))
    return out.reshape((_N_PROT, _MAX_LEN, _N_AAS))

# --- scband reference (transcript-rebuilt; emitter-appended) ---
"""Pipeline reference for scband-diff-species-pwm-58531814310363 (READ-ONLY COPY).

The authoritative reference and input builder live on the scoring server;
editing this copy changes nothing except your own understanding.
"""

import jax, jax.numpy as jnp
import numpy as np

N_PROT = 16
MAX_LEN = 2048
N_SPECIES = 64
N_AAS = 25

def setup_inputs(seed: int = 0) -> dict:
    key = jax.random.key(seed)
    k1, k2 = jax.random.split(key)
    alis0based = jax.random.randint(k1, (N_PROT, MAX_LEN, N_SPECIES), 0, N_AAS, dtype=jnp.int64 if jax.config.jax_enable_x64 else jnp.int32)
    # learned per-species weights (NormalizedPWMTransform init: ones)
    weights = jnp.ones((N_SPECIES,), dtype=jnp.float32)
    return {"alis0based": alis0based, "weights": weights}

def reference(alis0based, weights):
    # Faithful translation of compute_differentiable_pwm with NormalizedPWMTransform
    # (normalize_weights=True, n_out_channels=1 -> n_out_features = n_aas)
    n_species = alis0based.shape[-1]
    alis_flat = alis0based.reshape((-1, n_species)).astype(jnp.int32)
    # one_hot: [batch_flat, n_species, n_aas]
    one_hot = jax.nn.one_hot(alis_flat, N_AAS, dtype=jnp.float32)
    norm_weights = jax.nn.softmax(weights, axis=0)
    norm_flat = one_hot * norm_weights.reshape((1, -1, 1))
    # sum over species axis, keepdim collapsed -> [batch_flat, n_aas]
    profile = jnp.sum(norm_flat, axis=1)
    profile = profile.reshape(alis0based.shape[:-1] + (N_AAS,))
    return profile

if __name__ == "__main__":
    import jax
    _d = setup_inputs()
    print(jax.jit(kernel)(*tuple(_d.values())))

</pallas_src>

<mosaic_0001>
#map = affine_map<(d0, d1) -> (0)>
module attributes {stable_mosaic.version = 14 : i64} {
  func.func @_pwm_body(%arg0: i32, %arg1: i32, %arg2: memref<2097152xi32, #tpu.memory_space<hbm>>, %arg3: memref<64xf32, #tpu.memory_space<hbm>>, %arg4: memref<819200xf32, #tpu.memory_space<hbm>>, %arg5: memref<65536xi32, #tpu.memory_space<vmem>>, %arg6: memref<25600xf32, #tpu.memory_space<vmem>>, %arg7: memref<64xf32, #tpu.memory_space<vmem>>, %arg8: memref<1024xf32, #tpu.memory_space<vmem>>, %arg9: memref<16xf32, #tpu.memory_space<vmem>>, %arg10: memref<!tpu.dma_semaphore, #tpu.memory_space<semaphore_mem>>) attributes {dimension_semantics = [#tpu.dimension_semantics<core_parallel>, #tpu.dimension_semantics<subcore_parallel>], iteration_bounds = array<i64: 2, 16>, scalar_prefetch = 0 : i64, scratch_operands = 6 : i64, tpu.core_type = #tpu.core_type<sc_vector_subcore>, window_params = [{transform_indices = #map}, {transform_indices = #map}, {transform_indices = #map}]} {
    %mul3A = arith.constant 2 : i32
    %mul3A_0 = arith.muli %arg1, %mul3A : i32
    %add3A = arith.addi %mul3A_0, %arg0 : i32
    %mul3A_1 = arith.constant 1024 : i32
    %mul3A_2 = arith.muli %add3A, %mul3A_1 : i32
    %mul3A_3 = arith.constant 64 : i32
    %mul3A_4 = arith.muli %mul3A_2, %mul3A_3 : i32
    %dma_start3A = tpu.memref_slice %arg2[%mul3A_4] : memref<2097152xi32, #tpu.memory_space<hbm>> -> memref<65536xi32, #tpu.memory_space<hbm>>
    %dma_start3A_5 = tpu.memref_slice %arg2[%mul3A_4] : memref<2097152xi32, #tpu.memory_space<hbm>> -> memref<65536xi32, #tpu.memory_space<hbm>>
    tpu.enqueue_dma source(%dma_start3A_5 : memref<65536xi32, #tpu.memory_space<hbm>>) target(%arg5 : memref<65536xi32, #tpu.memory_space<vmem>>) target_semaphore(%arg10 : memref<!tpu.dma_semaphore, #tpu.memory_space<semaphore_mem>>)
    "tpu.region"() ({
      %run_scoped3A = tpu.sem_alloc : memref<!tpu.dma_semaphore, #tpu.memory_space<semaphore_mem>>
      tpu.enqueue_dma source(%arg3 : memref<64xf32, #tpu.memory_space<hbm>>) target(%arg7 : memref<64xf32, #tpu.memory_space<vmem>>) target_semaphore(%run_scoped3A : memref<!tpu.dma_semaphore, #tpu.memory_space<semaphore_mem>>)
      tpu.wait_dma2 semaphore(%run_scoped3A : memref<!tpu.dma_semaphore, #tpu.memory_space<semaphore_mem>>) src(%arg3 : memref<64xf32, #tpu.memory_space<hbm>>) dst(%arg7 : memref<64xf32, #tpu.memory_space<vmem>>)
      tpu.yield
    }) : () -> ()
    %iota3A = tpu.iota {dimensions = array<i32: 0>} : vector<16xi32>
    %get3A = arith.constant 0 : index
    %get3A_6 = tpu.vector_load %arg7[%get3A] {strides = array<i32>} : memref<64xf32, #tpu.memory_space<vmem>>, vector<16xf32>,
    %get3A_7 = arith.constant 16 : index
    %get3A_8 = tpu.vector_load %arg7[%get3A_7] {strides = array<i32>} : memref<64xf32, #tpu.memory_space<vmem>>, vector<16xf32>,
    %get3A_9 = arith.constant 32 : index
    %get3A_10 = tpu.vector_load %arg7[%get3A_9] {strides = array<i32>} : memref<64xf32, #tpu.memory_space<vmem>>, vector<16xf32>,
    %get3A_11 = arith.constant 48 : index
    %get3A_12 = tpu.vector_load %arg7[%get3A_11] {strides = array<i32>} : memref<64xf32, #tpu.memory_space<vmem>>, vector<16xf32>,
    %max3A = arith.maximumf %get3A_6, %get3A_8 : vector<16xf32>
    %max3A_13 = arith.maximumf %get3A_10, %get3A_12 : vector<16xf32>
    %max3A_14 = arith.maximumf %max3A, %max3A_13 : vector<16xf32>
    %swap3A = arith.constant 0 : index
    %swap3A_15 = tpu.vector_load %arg9[%swap3A] {strides = array<i32>} : memref<16xf32, #tpu.memory_space<vmem>>, vector<16xf32>,
    tpu.vector_store %arg9[%swap3A], %max3A_14 {strides = array<i32>} : memref<16xf32, #tpu.memory_space<vmem>>, vector<16xf32>,
    %xor3A = arith.constant 8 : i32
    %xor3A_16 = vector.broadcast %xor3A : i32 to vector<16xi32>
    %xor3A_17 = arith.xori %iota3A, %xor3A_16 : vector<16xi32>
    %gather3A = tpu.vector_load_idx %arg9[%xor3A_17] : memref<16xf32, #tpu.memory_space<vmem>>[vector<16xi32>], vector<16xf32>,
    %max3A_18 = arith.maximumf %max3A_14, %gather3A : vector<16xf32>
    %swap3A_19 = arith.constant 0 : index
    %swap3A_20 = tpu.vector_load %arg9[%swap3A_19] {strides = array<i32>} : memref<16xf32, #tpu.memory_space<vmem>>, vector<16xf32>,
    tpu.vector_store %arg9[%swap3A_19], %max3A_18 {strides = array<i32>} : memref<16xf32, #tpu.memory_space<vmem>>, vector<16xf32>,
    %xor3A_21 = arith.constant 4 : i32
    %xor3A_22 = vector.broadcast %xor3A_21 : i32 to vector<16xi32>
    %xor3A_23 = arith.xori %iota3A, %xor3A_22 : vector<16xi32>
    %gather3A_24 = tpu.vector_load_idx %arg9[%xor3A_23] : memref<16xf32, #tpu.memory_space<vmem>>[vector<16xi32>], vector<16xf32>,
    %max3A_25 = arith.maximumf %max3A_18, %gather3A_24 : vector<16xf32>
    %swap3A_26 = arith.constant 0 : index
    %swap3A_27 = tpu.vector_load %arg9[%swap3A_26] {strides = array<i32>} : memref<16xf32, #tpu.memory_space<vmem>>, vector<16xf32>,
    tpu.vector_store %arg9[%swap3A_26], %max3A_25 {strides = array<i32>} : memref<16xf32, #tpu.memory_space<vmem>>, vector<16xf32>,
    %xor3A_28 = arith.constant 2 : i32
    %xor3A_29 = vector.broadcast %xor3A_28 : i32 to vector<16xi32>
    %xor3A_30 = arith.xori %iota3A, %xor3A_29 : vector<16xi32>
    %gather3A_31 = tpu.vector_load_idx %arg9[%xor3A_30] : memref<16xf32, #tpu.memory_space<vmem>>[vector<16xi32>], vector<16xf32>,
    %max3A_32 = arith.maximumf %max3A_25, %gather3A_31 : vector<16xf32>
    %swap3A_33 = arith.constant 0 : index
    %swap3A_34 = tpu.vector_load %arg9[%swap3A_33] {strides = array<i32>} : memref<16xf32, #tpu.memory_space<vmem>>, vector<16xf32>,
    tpu.vector_store %arg9[%swap3A_33], %max3A_32 {strides = array<i32>} : memref<16xf32, #tpu.memory_space<vmem>>, vector<16xf32>,
    %xor3A_35 = arith.constant 1 : i32
    %xor3A_36 = vector.broadcast %xor3A_35 : i32 to vector<16xi32>
    %xor3A_37 = arith.xori %iota3A, %xor3A_36 : vector<16xi32>
    %gather3A_38 = tpu.vector_load_idx %arg9[%xor3A_37] : memref<16xf32, #tpu.memory_space<vmem>>[vector<16xi32>], vector<16xf32>,
    %max3A_39 = arith.maximumf %max3A_32, %gather3A_38 : vector<16xf32>
    %sub3A = arith.subf %get3A_6, %max3A_39 : vector<16xf32>
    %exp3A = math.exp %sub3A : vector<16xf32>
    %sub3A_40 = arith.subf %get3A_8, %max3A_39 : vector<16xf32>
    %exp3A_41 = math.exp %sub3A_40 : vector<16xf32>
    %sub3A_42 = arith.subf %get3A_10, %max3A_39 : vector<16xf32>
    %exp3A_43 = math.exp %sub3A_42 : vector<16xf32>
    %sub3A_44 = arith.subf %get3A_12, %max3A_39 : vector<16xf32>
    %exp3A_45 = math.exp %sub3A_44 : vector<16xf32>
    %add3A_46 = arith.addf %exp3A, %exp3A_41 : vector<16xf32>
    %add3A_47 = arith.addf %add3A_46, %exp3A_43 : vector<16xf32>
    %add3A_48 = arith.addf %add3A_47, %exp3A_45 : vector<16xf32>
    %swap3A_49 = arith.constant 0 : index
    %swap3A_50 = tpu.vector_load %arg9[%swap3A_49] {strides = array<i32>} : memref<16xf32, #tpu.memory_space<vmem>>, vector<16xf32>,
    tpu.vector_store %arg9[%swap3A_49], %add3A_48 {strides = array<i32>} : memref<16xf32, #tpu.memory_space<vmem>>, vector<16xf32>,
    %xor3A_51 = arith.constant 8 : i32
    %xor3A_52 = vector.broadcast %xor3A_51 : i32 to vector<16xi32>
    %xor3A_53 = arith.xori %iota3A, %xor3A_52 : vector<16xi32>
    %gather3A_54 = tpu.vector_load_idx %arg9[%xor3A_53] : memref<16xf32, #tpu.memory_space<vmem>>[vector<16xi32>], vector<16xf32>,
    %add3A_55 = arith.addf %add3A_48, %gather3A_54 : vector<16xf32>
    %swap3A_56 = arith.constant 0 : index
    %swap3A_57 = tpu.vector_load %arg9[%swap3A_56] {strides = array<i32>} : memref<16xf32, #tpu.memory_space<vmem>>, vector<16xf32>,
    tpu.vector_store %arg9[%swap3A_56], %add3A_55 {strides = array<i32>} : memref<16xf32, #tpu.memory_space<vmem>>, vector<16xf32>,
    %xor3A_58 = arith.constant 4 : i32
    %xor3A_59 = vector.broadcast %xor3A_58 : i32 to vector<16xi32>
    %xor3A_60 = arith.xori %iota3A, %xor3A_59 : vector<16xi32>
    %gather3A_61 = tpu.vector_load_idx %arg9[%xor3A_60] : memref<16xf32, #tpu.memory_space<vmem>>[vector<16xi32>], vector<16xf32>,
    %add3A_62 = arith.addf %add3A_55, %gather3A_61 : vector<16xf32>
    %swap3A_63 = arith.constant 0 : index
    %swap3A_64 = tpu.vector_load %arg9[%swap3A_63] {strides = array<i32>} : memref<16xf32, #tpu.memory_space<vmem>>, vector<16xf32>,
    tpu.vector_store %arg9[%swap3A_63], %add3A_62 {strides = array<i32>} : memref<16xf32, #tpu.memory_space<vmem>>, vector<16xf32>,
    %xor3A_65 = arith.constant 2 : i32
    %xor3A_66 = vector.broadcast %xor3A_65 : i32 to vector<16xi32>
    %xor3A_67 = arith.xori %iota3A, %xor3A_66 : vector<16xi32>
    %gather3A_68 = tpu.vector_load_idx %arg9[%xor3A_67] : memref<16xf32, #tpu.memory_space<vmem>>[vector<16xi32>], vector<16xf32>,
    %add3A_69 = arith.addf %add3A_62, %gather3A_68 : vector<16xf32>
    %swap3A_70 = arith.constant 0 : index
    %swap3A_71 = tpu.vector_load %arg9[%swap3A_70] {strides = array<i32>} : memref<16xf32, #tpu.memory_space<vmem>>, vector<16xf32>,
    tpu.vector_store %arg9[%swap3A_70], %add3A_69 {strides = array<i32>} : memref<16xf32, #tpu.memory_space<vmem>>, vector<16xf32>,
    %xor3A_72 = arith.constant 1 : i32
    %xor3A_73 = vector.broadcast %xor3A_72 : i32 to vector<16xi32>
    %xor3A_74 = arith.xori %iota3A, %xor3A_73 : vector<16xi32>
    %gather3A_75 = tpu.vector_load_idx %arg9[%xor3A_74] : memref<16xf32, #tpu.memory_space<vmem>>[vector<16xi32>], vector<16xf32>,
    %add3A_76 = arith.addf %add3A_69, %gather3A_75 : vector<16xf32>
    %div3A = arith.constant 1.000000e+00 : f32
    %div3A_77 = vector.broadcast %div3A : f32 to vector<16xf32>
    %div3A_78 = arith.divf %div3A_77, %add3A_76 : vector<16xf32>
    %mul3A_79 = arith.mulf %exp3A, %div3A_78 : vector<16xf32>
    %swap3A_80 = arith.constant 0 : index
    %swap3A_81 = tpu.vector_load %arg7[%swap3A_80] {strides = array<i32>} : memref<64xf32, #tpu.memory_space<vmem>>, vector<16xf32>,
    tpu.vector_store %arg7[%swap3A_80], %mul3A_79 {strides = array<i32>} : memref<64xf32, #tpu.memory_space<vmem>>, vector<16xf32>,
    %mul3A_82 = arith.mulf %exp3A_41, %div3A_78 : vector<16xf32>
    %swap3A_83 = arith.constant 16 : index
    %swap3A_84 = tpu.vector_load %arg7[%swap3A_83] {strides = array<i32>} : memref<64xf32, #tpu.memory_space<vmem>>, vector<16xf32>,
    tpu.vector_store %arg7[%swap3A_83], %mul3A_82 {strides = array<i32>} : memref<64xf32, #tpu.memory_space<vmem>>, vector<16xf32>,
    %mul3A_85 = arith.mulf %exp3A_43, %div3A_78 : vector<16xf32>
    %swap3A_86 = arith.constant 32 : index
    %swap3A_87 = tpu.vector_load %arg7[%swap3A_86] {strides = array<i32>} : memref<64xf32, #tpu.memory_space<vmem>>, vector<16xf32>,
    tpu.vector_store %arg7[%swap3A_86], %mul3A_85 {strides = array<i32>} : memref<64xf32, #tpu.memory_space<vmem>>, vector<16xf32>,
    %mul3A_88 = arith.mulf %exp3A_45, %div3A_78 : vector<16xf32>
    %swap3A_89 = arith.constant 48 : index
    %swap3A_90 = tpu.vector_load %arg7[%swap3A_89] {strides = array<i32>} : memref<64xf32, #tpu.memory_space<vmem>>, vector<16xf32>,
    tpu.vector_store %arg7[%swap3A_89], %mul3A_88 {strides = array<i32>} : memref<64xf32, #tpu.memory_space<vmem>>, vector<16xf32>,
    %broadcast_in_dim3A = arith.constant 0 : i32
    %broadcast_in_dim3A_91 = vector.broadcast %broadcast_in_dim3A : i32 to vector<16xi32>
    %gather3A_92 = tpu.vector_load_idx %arg7[%broadcast_in_dim3A_91] : memref<64xf32, #tpu.memory_space<vmem>>[vector<16xi32>], vector<16xf32>,
    %swap3A_93 = arith.constant 0 : index
    %swap3A_94 = tpu.vector_load %arg8[%swap3A_93] {strides = array<i32>} : memref<1024xf32, #tpu.memory_space<vmem>>, vector<16xf32>,
    tpu.vector_store %arg8[%swap3A_93], %gather3A_92 {strides = array<i32>} : memref<1024xf32, #tpu.memory_space<vmem>>, vector<16xf32>,
    %broadcast_in_dim3A_95 = arith.constant 1 : i32
    %broadcast_in_dim3A_96 = vector.broadcast %broadcast_in_dim3A_95 : i32 to vector<16xi32>
    %gather3A_97 = tpu.vector_load_idx %arg7[%broadcast_in_dim3A_96] : memref<64xf32, #tpu.memory_space<vmem>>[vector<16xi32>], vector<16xf32>,
    %swap3A_98 = arith.constant 16 : index
    %swap3A_99 = tpu.vector_load %arg8[%swap3A_98] {strides = array<i32>} : memref<1024xf32, #tpu.memory_space<vmem>>, vector<16xf32>,
    tpu.vector_store %arg8[%swap3A_98], %gather3A_97 {strides = array<i32>} : memref<1024xf32, #tpu.memory_space<vmem>>, vector<16xf32>,
    %broadcast_in_dim3A_100 = arith.constant 2 : i32
    %broadcast_in_dim3A_101 = vector.broadcast %broadcast_in_dim3A_100 : i32 to vector<16xi32>
    %gather3A_102 = tpu.vector_load_idx %arg7[%broadcast_in_dim3A_101] : memref<64xf32, #tpu.memory_space<vmem>>[vector<16xi32>], vector<16xf32>,
    %swap3A_103 = arith.constant 32 : index
    %swap3A_104 = tpu.vector_load %arg8[%swap3A_103] {strides = array<i32>} : memref<1024xf32, #tpu.memory_space<vmem>>, vector<16xf32>,
    tpu.vector_store %arg8[%swap3A_103], %gather3A_102 {strides = array<i32>} : memref<1024xf32, #tpu.memory_space<vmem>>, vector<16xf32>,
    %broadcast_in_dim3A_105 = arith.constant 3 : i32
    %broadcast_in_dim3A_106 = vector.broadcast %broadcast_in_dim3A_105 : i32 to vector<16xi32>
    %gather3A_107 = tpu.vector_load_idx %arg7[%broadcast_in_dim3A_106] : memref<64xf32, #tpu.memory_space<vmem>>[vector<16xi32>], vector<16xf32>,
    %swap3A_108 = arith.constant 48 : index
    %swap3A_109 = tpu.vector_load %arg8[%swap3A_108] {strides = array<i32>} : memref<1024xf32, #tpu.memory_space<vmem>>, vector<16xf32>,
    tpu.vector_store %arg8[%swap3A_108], %gather3A_107 {strides = array<i32>} : memref<1024xf32, #tpu.memory_space<vmem>>, vector<16xf32>,
    %broadcast_in_dim3A_110 = arith.constant 4 : i32
    %broadcast_in_dim3A_111 = vector.broadcast %broadcast_in_dim3A_110 : i32 to vector<16xi32>
    %gather3A_112 = tpu.vector_load_idx %arg7[%broadcast_in_dim3A_111] : memref<64xf32, #tpu.memory_space<vmem>>[vector<16xi32>], vector<16xf32>,
    %swap3A_113 = arith.constant 64 : index
    %swap3A_114 = tpu.vector_load %arg8[%swap3A_113] {strides = array<i32>} : memref<1024xf32, #tpu.memory_space<vmem>>, vector<16xf32>,
    tpu.vector_store %arg8[%swap3A_113], %gather3A_112 {strides = array<i32>} : memref<1024xf32, #tpu.memory_space<vmem>>, vector<16xf32>,
    %broadcast_in_dim3A_115 = arith.constant 5 : i32
    %broadcast_in_dim3A_116 = vector.broadcast %broadcast_in_dim3A_115 : i32 to vector<16xi32>
    %gather3A_117 = tpu.vector_load_idx %arg7[%broadcast_in_dim3A_116] : memref<64xf32, #tpu.memory_space<vmem>>[vector<16xi32>], vector<16xf32>,
    %swap3A_118 = arith.constant 80 : index
    %swap3A_119 = tpu.vector_load %arg8[%swap3A_118] {strides = array<i32>} : memref<1024xf32, #tpu.memory_space<vmem>>, vector<16xf32>,
    tpu.vector_store %arg8[%swap3A_118], %gather3A_117 {strides = array<i32>} : memref<1024xf32, #tpu.memory_space<vmem>>, vector<16xf32>,
    %broadcast_in_dim3A_120 = arith.constant 6 : i32
    %broadcast_in_dim3A_121 = vector.broadcast %broadcast_in_dim3A_120 : i32 to vector<16xi32>
    %gather3A_122 = tpu.vector_load_idx %arg7[%broadcast_in_dim3A_121] : memref<64xf32, #tpu.memory_space<vmem>>[vector<16xi32>], vector<16xf32>,
    %swap3A_123 = arith.constant 96 : index
    %swap3A_124 = tpu.vector_load %arg8[%swap3A_123] {strides = array<i32>} : memref<1024xf32, #tpu.memory_space<vmem>>, vector<16xf32>,
    tpu.vector_store %arg8[%swap3A_123], %gather3A_122 {strides = array<i32>} : memref<1024xf32, #tpu.memory_space<vmem>>, vector<16xf32>,
    %broadcast_in_dim3A_125 = arith.constant 7 : i32
    %broadcast_in_dim3A_126 = vector.broadcast %broadcast_in_dim3A_125 : i32 to vector<16xi32>
    %gather3A_127 = tpu.vector_load_idx %arg7[%broadcast_in_dim3A_126] : memref<64xf32, #tpu.memory_space<vmem>>[vector<16xi32>], vector<16xf32>,
    %swap3A_128 = arith.constant 112 : index
    %swap3A_129 = tpu.vector_load %arg8[%swap3A_128] {strides = array<i32>} : memref<1024xf32, #tpu.memory_space<vmem>>, vector<16xf32>,
    tpu.vector_store %arg8[%swap3A_128], %gather3A_127 {strides = array<i32>} : memref<1024xf32, #tpu.memory_space<vmem>>, vector<16xf32>,
    %broadcast_in_dim3A_130 = arith.constant 8 : i32
    %broadcast_in_dim3A_131 = vector.broadcast %broadcast_in_dim3A_130 : i32 to vector<16xi32>
    %gather3A_132 = tpu.vector_load_idx %arg7[%broadcast_in_dim3A_131] : memref<64xf32, #tpu.memory_space<vmem>>[vector<16xi32>], vector<16xf32>,
    %swap3A_133 = arith.constant 128 : index
    %swap3A_134 = tpu.vector_load %arg8[%swap3A_133] {strides = array<i32>} : memref<1024xf32, #tpu.memory_space<vmem>>, vector<16xf32>,
    tpu.vector_store %arg8[%swap3A_133], %gather3A_132 {strides = array<i32>} : memref<1024xf32, #tpu.memory_space<vmem>>, vector<16xf32>,
    %broadcast_in_dim3A_135 = arith.constant 9 : i32
    %broadcast_in_dim3A_136 = vector.broadcast %broadcast_in_dim3A_135 : i32 to vector<16xi32>
    %gather3A_137 = tpu.vector_load_idx %arg7[%broadcast_in_dim3A_136] : memref<64xf32, #tpu.memory_space<vmem>>[vector<16xi32>], vector<16xf32>,
    %swap3A_138 = arith.constant 144 : index
    %swap3A_139 = tpu.vector_load %arg8[%swap3A_138] {strides = array<i32>} : memref<1024xf32, #tpu.memory_space<vmem>>, vector<16xf32>,
    tpu.vector_store %arg8[%swap3A_138], %gather3A_137 {strides = array<i32>} : memref<1024xf32, #tpu.memory_space<vmem>>, vector<16xf32>,
    %broadcast_in_dim3A_140 = arith.constant 10 : i32
    %broadcast_in_dim3A_141 = vector.broadcast %broadcast_in_dim3A_140 : i32 to vector<16xi32>
    %gather3A_142 = tpu.vector_load_idx %arg7[%broadcast_in_dim3A_141] : memref<64xf32, #tpu.memory_space<vmem>>[vector<16xi32>], vector<16xf32>,
    %swap3A_143 = arith.constant 160 : index
    %swap3A_144 = tpu.vector_load %arg8[%swap3A_143] {strides = array<i32>} : memref<1024xf32, #tpu.memory_space<vmem>>, vector<16xf32>,
    tpu.vector_store %arg8[%swap3A_143], %gather3A_142 {strides = array<i32>} : memref<1024xf32, #tpu.memory_space<vmem>>, vector<16xf32>,
    %broadcast_in_dim3A_145 = arith.constant 11 : i32
    %broadcast_in_dim3A_146 = vector.broadcast %broadcast_in_dim3A_145 : i32 to vector<16xi32>
    %gather3A_147 = tpu.vector_load_idx %arg7[%broadcast_in_dim3A_146] : memref<64xf32, #tpu.memory_space<vmem>>[vector<16xi32>], vector<16xf32>,
    %swap3A_148 = arith.constant 176 : index
    %swap3A_149 = tpu.vector_load %arg8[%swap3A_148] {strides = array<i32>} : memref<1024xf32, #tpu.memory_space<vmem>>, vector<16xf32>,
    tpu.vector_store %arg8[%swap3A_148], %gather3A_147 {strides = array<i32>} : memref<1024xf32, #tpu.memory_space<vmem>>, vector<16xf32>,
    %broadcast_in_dim3A_150 = arith.constant 12 : i32
    %broadcast_in_dim3A_151 = vector.broadcast %broadcast_in_dim3A_150 : i32 to vector<16xi32>
    %gather3A_152 = tpu.vector_load_idx %arg7[%broadcast_in_dim3A_151] : memref<64xf32, #tpu.memory_space<vmem>>[vector<16xi32>], vector<16xf32>,
    %swap3A_153 = arith.constant 192 : index
    %swap3A_154 = tpu.vector_load %arg8[%swap3A_153] {strides = array<i32>} : memref<1024xf32, #tpu.memory_space<vmem>>, vector<16xf32>,
    tpu.vector_store %arg8[%swap3A_153], %gather3A_152 {strides = array<i32>} : memref<1024xf32, #tpu.memory_space<vmem>>, vector<16xf32>,
    %broadcast_in_dim3A_155 = arith.constant 13 : i32
    %broadcast_in_dim3A_156 = vector.broadcast %broadcast_in_dim3A_155 : i32 to vector<16xi32>
    %gather3A_157 = tpu.vector_load_idx %arg7[%broadcast_in_dim3A_156] : memref<64xf32, #tpu.memory_space<vmem>>[vector<16xi32>], vector<16xf32>,
    %swap3A_158 = arith.constant 208 : index
    %swap3A_159 = tpu.vector_load %arg8[%swap3A_158] {strides = array<i32>} : memref<1024xf32, #tpu.memory_space<vmem>>, vector<16xf32>,
    tpu.vector_store %arg8[%swap3A_158], %gather3A_157 {strides = array<i32>} : memref<1024xf32, #tpu.memory_space<vmem>>, vector<16xf32>,
    %broadcast_in_dim3A_160 = arith.constant 14 : i32
    %broadcast_in_dim3A_161 = vector.broadcast %broadcast_in_dim3A_160 : i32 to vector<16xi32>
    %gather3A_162 = tpu.vector_load_idx %arg7[%broadcast_in_dim3A_161] : memref<64xf32, #tpu.memory_space<vmem>>[vector<16xi32>], vector<16xf32>,
    %swap3A_163 = arith.constant 224 : index
    %swap3A_164 = tpu.vector_load %arg8[%swap3A_163] {strides = array<i32>} : memref<1024xf32, #tpu.memory_space<vmem>>, vector<16xf32>,
    tpu.vector_store %arg8[%swap3A_163], %gather3A_162 {strides = array<i32>} : memref<1024xf32, #tpu.memory_space<vmem>>, vector<16xf32>,
    %broadcast_in_dim3A_165 = arith.constant 15 : i32
    %broadcast_in_dim3A_166 = vector.broadcast %broadcast_in_dim3A_165 : i32 to vector<16xi32>
    %gather3A_167 = tpu.vector_load_idx %arg7[%broadcast_in_dim3A_166] : memref<64xf32, #tpu.memory_space<vmem>>[vector<16xi32>], vector<16xf32>,
    %swap3A_168 = arith.constant 240 : index
    %swap3A_169 = tpu.vector_load %arg8[%swap3A_168] {strides = array<i32>} : memref<1024xf32, #tpu.memory_space<vmem>>, vector<16xf32>,
    tpu.vector_store %arg8[%swap3A_168], %gather3A_167 {strides = array<i32>} : memref<1024xf32, #tpu.memory_space<vmem>>, vector<16xf32>,
    %broadcast_in_dim3A_170 = arith.constant 16 : i32
    %broadcast_in_dim3A_171 = vector.broadcast %broadcast_in_dim3A_170 : i32 to vector<16xi32>
    %gather3A_172 = tpu.vector_load_idx %arg7[%broadcast_in_dim3A_171] : memref<64xf32, #tpu.memory_space<vmem>>[vector<16xi32>], vector<16xf32>,
    %swap3A_173 = arith.constant 256 : index
    %swap3A_174 = tpu.vector_load %arg8[%swap3A_173] {strides = array<i32>} : memref<1024xf32, #tpu.memory_space<vmem>>, vector<16xf32>,
    tpu.vector_store %arg8[%swap3A_173], %gather3A_172 {strides = array<i32>} : memref<1024xf32, #tpu.memory_space<vmem>>, vector<16xf32>,
    %broadcast_in_dim3A_175 = arith.constant 17 : i32
    %broadcast_in_dim3A_176 = vector.broadcast %broadcast_in_dim3A_175 : i32 to vector<16xi32>
    %gather3A_177 = tpu.vector_load_idx %arg7[%broadcast_in_dim3A_176] : memref<64xf32, #tpu.memory_space<vmem>>[vector<16xi32>], vector<16xf32>,
    %swap3A_178 = arith.constant 272 : index
    %swap3A_179 = tpu.vector_load %arg8[%swap3A_178] {strides = array<i32>} : memref<1024xf32, #tpu.memory_space<vmem>>, vector<16xf32>,
    tpu.vector_store %arg8[%swap3A_178], %gather3A_177 {strides = array<i32>} : memref<1024xf32, #tpu.memory_space<vmem>>, vector<16xf32>,
    %broadcast_in_dim3A_180 = arith.constant 18 : i32
    %broadcast_in_dim3A_181 = vector.broadcast %broadcast_in_dim3A_180 : i32 to vector<16xi32>
    %gather3A_182 = tpu.vector_load_idx %arg7[%broadcast_in_dim3A_181] : memref<64xf32, #tpu.memory_space<vmem>>[vector<16xi32>], vector<16xf32>,
    %swap3A_183 = arith.constant 288 : index
    %swap3A_184 = tpu.vector_load %arg8[%swap3A_183] {strides = array<i32>} : memref<1024xf32, #tpu.memory_space<vmem>>, vector<16xf32>,
    tpu.vector_store %arg8[%swap3A_183], %gather3A_182 {strides = array<i32>} : memref<1024xf32, #tpu.memory_space<vmem>>, vector<16xf32>,
    %broadcast_in_dim3A_185 = arith.constant 19 : i32
    %broadcast_in_dim3A_186 = vector.broadcast %broadcast_in_dim3A_185 : i32 to vector<16xi32>
    %gather3A_187 = tpu.vector_load_idx %arg7[%broadcast_in_dim3A_186] : memref<64xf32, #tpu.memory_space<vmem>>[vector<16xi32>], vector<16xf32>,
    %swap3A_188 = arith.constant 304 : index
    %swap3A_189 = tpu.vector_load %arg8[%swap3A_188] {strides = array<i32>} : memref<1024xf32, #tpu.memory_space<vmem>>, vector<16xf32>,
    tpu.vector_store %arg8[%swap3A_188], %gather3A_187 {strides = array<i32>} : memref<1024xf32, #tpu.memory_space<vmem>>, vector<16xf32>,
    %broadcast_in_dim3A_190 = arith.constant 20 : i32
    %broadcast_in_dim3A_191 = vector.broadcast %broadcast_in_dim3A_190 : i32 to vector<16xi32>
    %gather3A_192 = tpu.vector_load_idx %arg7[%broadcast_in_dim3A_191] : memref<64xf32, #tpu.memory_space<vmem>>[vector<16xi32>], vector<16xf32>,
    %swap3A_193 = arith.constant 320 : index
    %swap3A_194 = tpu.vector_load %arg8[%swap3A_193] {strides = array<i32>} : memref<1024xf32, #tpu.memory_space<vmem>>, vector<16xf32>,
    tpu.vector_store %arg8[%swap3A_193], %gather3A_192 {strides = array<i32>} : memref<1024xf32, #tpu.memory_space<vmem>>, vector<16xf32>,
    %broadcast_in_dim3A_195 = arith.constant 21 : i32
    %broadcast_in_dim3A_196 = vector.broadcast %broadcast_in_dim3A_195 : i32 to vector<16xi32>
    %gather3A_197 = tpu.vector_load_idx %arg7[%broadcast_in_dim3A_196] : memref<64xf32, #tpu.memory_space<vmem>>[vector<16xi32>], vector<16xf32>,
    %swap3A_198 = arith.constant 336 : index
    %swap3A_199 = tpu.vector_load %arg8[%swap3A_198] {strides = array<i32>} : memref<1024xf32, #tpu.memory_space<vmem>>, vector<16xf32>,
    tpu.vector_store %arg8[%swap3A_198], %gather3A_197 {strides = array<i32>} : memref<1024xf32, #tpu.memory_space<vmem>>, vector<16xf32>,
    %broadcast_in_dim3A_200 = arith.constant 22 : i32
    %broadcast_in_dim3A_201 = vector.broadcast %broadcast_in_dim3A_200 : i32 to vector<16xi32>
    %gather3A_202 = tpu.vector_load_idx %arg7[%broadcast_in_dim3A_201] : memref<64xf32, #tpu.memory_space<vmem>>[vector<16xi32>], vector<16xf32>,
    %swap3A_203 = arith.constant 352 : index
    %swap3A_204 = tpu.vector_load %arg8[%swap3A_203] {strides = array<i32>} : memref<1024xf32, #tpu.memory_space<vmem>>, vector<16xf32>,
    tpu.vector_store %arg8[%swap3A_203], %gather3A_202 {strides = array<i32>} : memref<1024xf32, #tpu.memory_space<vmem>>, vector<16xf32>,
    %broadcast_in_dim3A_205 = arith.constant 23 : i32
    %broadcast_in_dim3A_206 = vector.broadcast %broadcast_in_dim3A_205 : i32 to vector<16xi32>
    %gather3A_207 = tpu.vector_load_idx %arg7[%broadcast_in_dim3A_206] : memref<64xf32, #tpu.memory_space<vmem>>[vector<16xi32>], vector<16xf32>,
    %swap3A_208 = arith.constant 368 : index
    %swap3A_209 = tpu.vector_load %arg8[%swap3A_208] {strides = array<i32>} : memref<1024xf32, #tpu.memory_space<vmem>>, vector<16xf32>,
    tpu.vector_store %arg8[%swap3A_208], %gather3A_207 {strides = array<i32>} : memref<1024xf32, #tpu.memory_space<vmem>>, vector<16xf32>,
    %broadcast_in_dim3A_210 = arith.constant 24 : i32
    %broadcast_in_dim3A_211 = vector.broadcast %broadcast_in_dim3A_210 : i32 to vector<16xi32>
    %gather3A_212 = tpu.vector_load_idx %arg7[%broadcast_in_dim3A_211] : memref<64xf32, #tpu.memory_space<vmem>>[vector<16xi32>], vector<16xf32>,
    %swap3A_213 = arith.constant 384 : index
    %swap3A_214 = tpu.vector_load %arg8[%swap3A_213] {strides = array<i32>} : memref<1024xf32, #tpu.memory_space<vmem>>, vector<16xf32>,
    tpu.vector_store %arg8[%swap3A_213], %gather3A_212 {strides = array<i32>} : memref<1024xf32, #tpu.memory_space<vmem>>, vector<16xf32>,
    %broadcast_in_dim3A_215 = arith.constant 25 : i32
    %broadcast_in_dim3A_216 = vector.broadcast %broadcast_in_dim3A_215 : i32 to vector<16xi32>
    %gather3A_217 = tpu.vector_load_idx %arg7[%broadcast_in_dim3A_216] : memref<64xf32, #tpu.memory_space<vmem>>[vector<16xi32>], vector<16xf32>,
    %swap3A_218 = arith.constant 400 : index
    %swap3A_219 = tpu.vector_load %arg8[%swap3A_218] {strides = array<i32>} : memref<1024xf32, #tpu.memory_space<vmem>>, vector<16xf32>,
    tpu.vector_store %arg8[%swap3A_218], %gather3A_217 {strides = array<i32>} : memref<1024xf32, #tpu.memory_space<vmem>>, vector<16xf32>,
    %broadcast_in_dim3A_220 = arith.constant 26 : i32
    %broadcast_in_dim3A_221 = vector.broadcast %broadcast_in_dim3A_220 : i32 to vector<16xi32>
    %gather3A_222 = tpu.vector_load_idx %arg7[%broadcast_in_dim3A_221] : memref<64xf32, #tpu.memory_space<vmem>>[vector<16xi32>], vector<16xf32>,
    %swap3A_223 = arith.constant 416 : index
    %swap3A_224 = tpu.vector_load %arg8[%swap3A_223] {strides = array<i32>} : memref<1024xf32, #tpu.memory_space<vmem>>, vector<16xf32>,
    tpu.vector_store %arg8[%swap3A_223], %gather3A_222 {strides = array<i32>} : memref<1024xf32, #tpu.memory_space<vmem>>, vector<16xf32>,
    %broadcast_in_dim3A_225 = arith.constant 27 : i32
    %broadcast_in_dim3A_226 = vector.broadcast %broadcast_in_dim3A_225 : i32 to vector<16xi32>
    %gather3A_227 = tpu.vector_load_idx %arg7[%broadcast_in_dim3A_226] : memref<64xf32, #tpu.memory_space<vmem>>[vector<16xi32>], vector<16xf32>,
    %swap3A_228 = arith.constant 432 : index
    %swap3A_229 = tpu.vector_load %arg8[%swap3A_228] {strides = array<i32>} : memref<1024xf32, #tpu.memory_space<vmem>>, vector<16xf32>,
    tpu.vector_store %arg8[%swap3A_228], %gather3A_227 {strides = array<i32>} : memref<1024xf32, #tpu.memory_space<vmem>>, vector<16xf32>,
    %broadcast_in_dim3A_230 = arith.constant 28 : i32
    %broadcast_in_dim3A_231 = vector.broadcast %broadcast_in_dim3A_230 : i32 to vector<16xi32>
    %gather3A_232 = tpu.vector_load_idx %arg7[%broadcast_in_dim3A_231] : memref<64xf32, #tpu.memory_space<vmem>>[vector<16xi32>], vector<16xf32>,
    %swap3A_233 = arith.constant 448 : index
    %swap3A_234 = tpu.vector_load %arg8[%swap3A_233] {strides = array<i32>} : memref<1024xf32, #tpu.memory_space<vmem>>, vector<16xf32>,
    tpu.vector_store %arg8[%swap3A_233], %gather3A_232 {strides = array<i32>} : memref<1024xf32, #tpu.memory_space<vmem>>, vector<16xf32>,
    %broadcast_in_dim3A_235 = arith.constant 29 : i32
    %broadcast_in_dim3A_236 = vector.broadcast %broadcast_in_dim3A_235 : i32 to vector<16xi32>
    %gather3A_237 = tpu.vector_load_idx %arg7[%broadcast_in_dim3A_236] : memref<64xf32, #tpu.memory_space<vmem>>[vector<16xi32>], vector<16xf32>,
    %swap3A_238 = arith.constant 464 : index
    %swap3A_239 = tpu.vector_load %arg8[%swap3A_238] {strides = array<i32>} : memref<1024xf32, #tpu.memory_space<vmem>>, vector<16xf32>,
    tpu.vector_store %arg8[%swap3A_238], %gather3A_237 {strides = array<i32>} : memref<1024xf32, #tpu.memory_space<vmem>>, vector<16xf32>,
    %broadcast_in_dim3A_240 = arith.constant 30 : i32
    %broadcast_in_dim3A_241 = vector.broadcast %broadcast_in_dim3A_240 : i32 to vector<16xi32>
    %gather3A_242 = tpu.vector_load_idx %arg7[%broadcast_in_dim3A_241] : memref<64xf32, #tpu.memory_space<vmem>>[vector<16xi32>], vector<16xf32>,
    %swap3A_243 = arith.constant 480 : index
    %swap3A_244 = tpu.vector_load %arg8[%swap3A_243] {strides = array<i32>} : memref<1024xf32, #tpu.memory_space<vmem>>, vector<16xf32>,
    tpu.vector_store %arg8[%swap3A_243], %gather3A_242 {strides = array<i32>} : memref<1024xf32, #tpu.memory_space<vmem>>, vector<16xf32>,
    %broadcast_in_dim3A_245 = arith.constant 31 : i32
    %broadcast_in_dim3A_246 = vector.broadcast %broadcast_in_dim3A_245 : i32 to vector<16xi32>
    %gather3A_247 = tpu.vector_load_idx %arg7[%broadcast_in_dim3A_246] : memref<64xf32, #tpu.memory_space<vmem>>[vector<16xi32>], vector<16xf32>,
    %swap3A_248 = arith.constant 496 : index
    %swap3A_249 = tpu.vector_load %arg8[%swap3A_248] {strides = array<i32>} : memref<1024xf32, #tpu.memory_space<vmem>>, vector<16xf32>,
    tpu.vector_store %arg8[%swap3A_248], %gather3A_247 {strides = array<i32>} : memref<1024xf32, #tpu.memory_space<vmem>>, vector<16xf32>,
    %broadcast_in_dim3A_250 = arith.constant 32 : i32
    %broadcast_in_dim3A_251 = vector.broadcast %broadcast_in_dim3A_250 : i32 to vector<16xi32>
    %gather3A_252 = tpu.vector_load_idx %arg7[%broadcast_in_dim3A_251] : memref<64xf32, #tpu.memory_space<vmem>>[vector<16xi32>], vector<16xf32>,
    %swap3A_253 = arith.constant 512 : index
    %swap3A_254 = tpu.vector_load %arg8[%swap3A_253] {strides = array<i32>} : memref<1024xf32, #tpu.memory_space<vmem>>, vector<16xf32>,
    tpu.vector_store %arg8[%swap3A_253], %gather3A_252 {strides = array<i32>} : memref<1024xf32, #tpu.memory_space<vmem>>, vector<16xf32>,
    %broadcast_in_dim3A_255 = arith.constant 33 : i32
    %broadcast_in_dim3A_256 = vector.broadcast %broadcast_in_dim3A_255 : i32 to vector<16xi32>
    %gather3A_257 = tpu.vector_load_idx %arg7[%broadcast_in_dim3A_256] : memref<64xf32, #tpu.memory_space<vmem>>[vector<16xi32>], vector<16xf32>,
    %swap3A_258 = arith.constant 528 : index
    %swap3A_259 = tpu.vector_load %arg8[%swap3A_258] {strides = array<i32>} : memref<1024xf32, #tpu.memory_space<vmem>>, vector<16xf32>,
    tpu.vector_store %arg8[%swap3A_258], %gather3A_257 {strides = array<i32>} : memref<1024xf32, #tpu.memory_space<vmem>>, vector<16xf32>,
    %broadcast_in_dim3A_260 = arith.constant 34 : i32
    %broadcast_in_dim3A_261 = vector.broadcast %broadcast_in_dim3A_260 : i32 to vector<16xi32>
    %gather3A_262 = tpu.vector_load_idx %arg7[%broadcast_in_dim3A_261] : memref<64xf32, #tpu.memory_space<vmem>>[vector<16xi32>], vector<16xf32>,
    %swap3A_263 = arith.constant 544 : index
    %swap3A_264 = tpu.vector_load %arg8[%swap3A_263] {strides = array<i32>} : memref<1024xf32, #tpu.memory_space<vmem>>, vector<16xf32>,
    tpu.vector_store %arg8[%swap3A_263], %gather3A_262 {strides = array<i32>} : memref<1024xf32, #tpu.memory_space<vmem>>, vector<16xf32>,
    %broadcast_in_dim3A_265 = arith.constant 35 : i32
    %broadcast_in_dim3A_266 = vector.broadcast %broadcast_in_dim3A_265 : i32 to vector<16xi32>
    %gather3A_267 = tpu.vector_load_idx %arg7[%broadcast_in_dim3A_266] : memref<64xf32, #tpu.memory_space<vmem>>[vector<16xi32>], vector<16xf32>,
    %swap3A_268 = arith.constant 560 : index
    %swap3A_269 = tpu.vector_load %arg8[%swap3A_268] {strides = array<i32>} : memref<1024xf32, #tpu.memory_space<vmem>>, vector<16xf32>,
    tpu.vector_store %arg8[%swap3A_268], %gather3A_267 {strides = array<i32>} : memref<1024xf32, #tpu.memory_space<vmem>>, vector<16xf32>,
    %broadcast_in_dim3A_270 = arith.constant 36 : i32
    %broadcast_in_dim3A_271 = vector.broadcast %broadcast_in_dim3A_270 : i32 to vector<16xi32>
    %gather3A_272 = tpu.vector_load_idx %arg7[%broadcast_in_dim3A_271] : memref<64xf32, #tpu.memory_space<vmem>>[vector<16xi32>], vector<16xf32>,
    %swap3A_273 = arith.constant 576 : index
    %swap3A_274 = tpu.vector_load %arg8[%swap3A_273] {strides = array<i32>} : memref<1024xf32, #tpu.memory_space<vmem>>, vector<16xf32>,
    tpu.vector_store %arg8[%swap3A_273], %gather3A_272 {strides = array<i32>} : memref<1024xf32, #tpu.memory_space<vmem>>, vector<16xf32>,
    %broadcast_in_dim3A_275 = arith.constant 37 : i32
    %broadcast_in_dim3A_276 = vector.broadcast %broadcast_in_dim3A_275 : i32 to vector<16xi32>
    %gather3A_277 = tpu.vector_load_idx %arg7[%broadcast_in_dim3A_276] : memref<64xf32, #tpu.memory_space<vmem>>[vector<16xi32>], vector<16xf32>,
    %swap3A_278 = arith.constant 592 : index
    %swap3A_279 = tpu.vector_load %arg8[%swap3A_278] {strides = array<i32>} : memref<1024xf32, #tpu.memory_space<vmem>>, vector<16xf32>,
    tpu.vector_store %arg8[%swap3A_278], %gather3A_277 {strides = array<i32>} : memref<1024xf32, #tpu.memory_space<vmem>>, vector<16xf32>,
    %broadcast_in_dim3A_280 = arith.constant 38 : i32
    %broadcast_in_dim3A_281 = vector.broadcast %broadcast_in_dim3A_280 : i32 to vector<16xi32>
    %gather3A_282 = tpu.vector_load_idx %arg7[%broadcast_in_dim3A_281] : memref<64xf32, #tpu.memory_space<vmem>>[vector<16xi32>], vector<16xf32>,
    %swap3A_283 = arith.constant 608 : index
    %swap3A_284 = tpu.vector_load %arg8[%swap3A_283] {strides = array<i32>} : memref<1024xf32, #tpu.memory_space<vmem>>, vector<16xf32>,
    tpu.vector_store %arg8[%swap3A_283], %gather3A_282 {strides = array<i32>} : memref<1024xf32, #tpu.memory_space<vmem>>, vector<16xf32>,
    %broadcast_in_dim3A_285 = arith.constant 39 : i32
    %broadcast_in_dim3A_286 = vector.broadcast %broadcast_in_dim3A_285 : i32 to vector<16xi32>
    %gather3A_287 = tpu.vector_load_idx %arg7[%broadcast_in_dim3A_286] : memref<64xf32, #tpu.memory_space<vmem>>[vector<16xi32>], vector<16xf32>,
    %swap3A_288 = arith.constant 624 : index
    %swap3A_289 = tpu.vector_load %arg8[%swap3A_288] {strides = array<i32>} : memref<1024xf32, #tpu.memory_space<vmem>>, vector<16xf32>,
    tpu.vector_store %arg8[%swap3A_288], %gather3A_287 {strides = array<i32>} : memref<1024xf32, #tpu.memory_space<vmem>>, vector<16xf32>,
    %broadcast_in_dim3A_290 = arith.constant 40 : i32
    %broadcast_in_dim3A_291 = vector.broadcast %broadcast_in_dim3A_290 : i32 to vector<16xi32>
    %gather3A_292 = tpu.vector_load_idx %arg7[%broadcast_in_dim3A_291] : memref<64xf32, #tpu.memory_space<vmem>>[vector<16xi32>], vector<16xf32>,
    %swap3A_293 = arith.constant 640 : index
    %swap3A_294 = tpu.vector_load %arg8[%swap3A_293] {strides = array<i32>} : memref<1024xf32, #tpu.memory_space<vmem>>, vector<16xf32>,
    tpu.vector_store %arg8[%swap3A_293], %gather3A_292 {strides = array<i32>} : memref<1024xf32, #tpu.memory_space<vmem>>, vector<16xf32>,
    %broadcast_in_dim3A_295 = arith.constant 41 : i32
    %broadcast_in_dim3A_296 = vector.broadcast %broadcast_in_dim3A_295 : i32 to vector<16xi32>
    %gather3A_297 = tpu.vector_load_idx %arg7[%broadcast_in_dim3A_296] : memref<64xf32, #tpu.memory_space<vmem>>[vector<16xi32>], vector<16xf32>,
    %swap3A_298 = arith.constant 656 : index
    %swap3A_299 = tpu.vector_load %arg8[%swap3A_298] {strides = array<i32>} : memref<1024xf32, #tpu.memory_space<vmem>>, vector<16xf32>,
    tpu.vector_store %arg8[%swap3A_298], %gather3A_297 {strides = array<i32>} : memref<1024xf32, #tpu.memory_space<vmem>>, vector<16xf32>,
    %broadcast_in_dim3A_300 = arith.constant 42 : i32
    %broadcast_in_dim3A_301 = vector.broadcast %broadcast_in_dim3A_300 : i32 to vector<16xi32>
    %gather3A_302 = tpu.vector_load_idx %arg7[%broadcast_in_dim3A_301] : memref<64xf32, #tpu.memory_space<vmem>>[vector<16xi32>], vector<16xf32>,
    %swap3A_303 = arith.constant 672 : index
    %swap3A_304 = tpu.vector_load %arg8[%swap3A_303] {strides = array<i32>} : memref<1024xf32, #tpu.memory_space<vmem>>, vector<16xf32>,
    tpu.vector_store %arg8[%swap3A_303], %gather3A_302 {strides = array<i32>} : memref<1024xf32, #tpu.memory_space<vmem>>, vector<16xf32>,
    %broadcast_in_dim3A_305 = arith.constant 43 : i32
    %broadcast_in_dim3A_306 = vector.broadcast %broadcast_in_dim3A_305 : i32 to vector<16xi32>
    %gather3A_307 = tpu.vector_load_idx %arg7[%broadcast_in_dim3A_306] : memref<64xf32, #tpu.memory_space<vmem>>[vector<16xi32>], vector<16xf32>,
    %swap3A_308 = arith.constant 688 : index
    %swap3A_309 = tpu.vector_load %arg8[%swap3A_308] {strides = array<i32>} : memref<1024xf32, #tpu.memory_space<vmem>>, vector<16xf32>,
    tpu.vector_store %arg8[%swap3A_308], %gather3A_307 {strides = array<i32>} : memref<1024xf32, #tpu.memory_space<vmem>>, vector<16xf32>,
    %broadcast_in_dim3A_310 = arith.constant 44 : i32
    %broadcast_in_dim3A_311 = vector.broadcast %broadcast_in_dim3A_310 : i32 to vector<16xi32>
    %gather3A_312 = tpu.vector_load_idx %arg7[%broadcast_in_dim3A_311] : memref<64xf32, #tpu.memory_space<vmem>>[vector<16xi32>], vector<16xf32>,
    %swap3A_313 = arith.constant 704 : index
    %swap3A_314 = tpu.vector_load %arg8[%swap3A_313] {strides = array<i32>} : memref<1024xf32, #tpu.memory_space<vmem>>, vector<16xf32>,
    tpu.vector_store %arg8[%swap3A_313], %gather3A_312 {strides = array<i32>} : memref<1024xf32, #tpu.memory_space<vmem>>, vector<16xf32>,
    %broadcast_in_dim3A_315 = arith.constant 45 : i32
    %broadcast_in_dim3A_316 = vector.broadcast %broadcast_in_dim3A_315 : i32 to vector<16xi32>
    %gather3A_317 = tpu.vector_load_idx %arg7[%broadcast_in_dim3A_316] : memref<64xf32, #tpu.memory_space<vmem>>[vector<16xi32>], vector<16xf32>,
    %swap3A_318 = arith.constant 720 : index
    %swap3A_319 = tpu.vector_load %arg8[%swap3A_318] {strides = array<i32>} : memref<1024xf32, #tpu.memory_space<vmem>>, vector<16xf32>,
    tpu.vector_store %arg8[%swap3A_318], %gather3A_317 {strides = array<i32>} : memref<1024xf32, #tpu.memory_space<vmem>>, vector<16xf32>,
    %broadcast_in_dim3A_320 = arith.constant 46 : i32
    %broadcast_in_dim3A_321 = vector.broadcast %broadcast_in_dim3A_320 : i32 to vector<16xi32>
    %gather3A_322 = tpu.vector_load_idx %arg7[%broadcast_in_dim3A_321] : memref<64xf32, #tpu.memory_space<vmem>>[vector<16xi32>], vector<16xf32>,
    %swap3A_323 = arith.constant 736 : index
    %swap3A_324 = tpu.vector_load %arg8[%swap3A_323] {strides = array<i32>} : memref<1024xf32, #tpu.memory_space<vmem>>, vector<16xf32>,
    tpu.vector_store %arg8[%swap3A_323], %gather3A_322 {strides = array<i32>} : memref<1024xf32, #tpu.memory_space<vmem>>, vector<16xf32>,
    %broadcast_in_dim3A_325 = arith.constant 47 : i32
    %broadcast_in_dim3A_326 = vector.broadcast %broadcast_in_dim3A_325 : i32 to vector<16xi32>
    %gather3A_327 = tpu.vector_load_idx %arg7[%broadcast_in_dim3A_326] : memref<64xf32, #tpu.memory_space<vmem>>[vector<16xi32>], vector<16xf32>,
    %swap3A_328 = arith.constant 752 : index
    %swap3A_329 = tpu.vector_load %arg8[%swap3A_328] {strides = array<i32>} : memref<1024xf32, #tpu.memory_space<vmem>>, vector<16xf32>,
    tpu.vector_store %arg8[%swap3A_328], %gather3A_327 {strides = array<i32>} : memref<1024xf32, #tpu.memory_space<vmem>>, vector<16xf32>,
    %broadcast_in_dim3A_330 = arith.constant 48 : i32
    %broadcast_in_dim3A_331 = vector.broadcast %broadcast_in_dim3A_330 : i32 to vector<16xi32>
    %gather3A_332 = tpu.vector_load_idx %arg7[%broadcast_in_dim3A_331] : memref<64xf32, #tpu.memory_space<vmem>>[vector<16xi32>], vector<16xf32>,
    %swap3A_333 = arith.constant 768 : index
    %swap3A_334 = tpu.vector_load %arg8[%swap3A_333] {strides = array<i32>} : memref<1024xf32, #tpu.memory_space<vmem>>, vector<16xf32>,
    tpu.vector_store %arg8[%swap3A_333], %gather3A_332 {strides = array<i32>} : memref<1024xf32, #tpu.memory_space<vmem>>, vector<16xf32>,
    %broadcast_in_dim3A_335 = arith.constant 49 : i32
    %broadcast_in_dim3A_336 = vector.broadcast %broadcast_in_dim3A_335 : i32 to vector<16xi32>
    %gather3A_337 = tpu.vector_load_idx %arg7[%broadcast_in_dim3A_336] : memref<64xf32, #tpu.memory_space<vmem>>[vector<16xi32>], vector<16xf32>,
    %swap3A_338 = arith.constant 784 : index
    %swap3A_339 = tpu.vector_load %arg8[%swap3A_338] {strides = array<i32>} : memref<1024xf32, #tpu.memory_space<vmem>>, vector<16xf32>,
    tpu.vector_store %arg8[%swap3A_338], %gather3A_337 {strides = array<i32>} : memref<1024xf32, #tpu.memory_space<vmem>>, vector<16xf32>,
    %broadcast_in_dim3A_340 = arith.constant 50 : i32
    %broadcast_in_dim3A_341 = vector.broadcast %broadcast_in_dim3A_340 : i32 to vector<16xi32>
    %gather3A_342 = tpu.vector_load_idx %arg7[%broadcast_in_dim3A_341] : memref<64xf32, #tpu.memory_space<vmem>>[vector<16xi32>], vector<16xf32>,
    %swap3A_343 = arith.constant 800 : index
    %swap3A_344 = tpu.vector_load %arg8[%swap3A_343] {strides = array<i32>} : memref<1024xf32, #tpu.memory_space<vmem>>, vector<16xf32>,
    tpu.vector_store %arg8[%swap3A_343], %gather3A_342 {strides = array<i32>} : memref<1024xf32, #tpu.memory_space<vmem>>, vector<16xf32>,
    %broadcast_in_dim3A_345 = arith.constant 51 : i32
    %broadcast_in_dim3A_346 = vector.broadcast %broadcast_in_dim3A_345 : i32 to vector<16xi32>
    %gather3A_347 = tpu.vector_load_idx %arg7[%broadcast_in_dim3A_346] : memref<64xf32, #tpu.memory_space<vmem>>[vector<16xi32>], vector<16xf32>,
    %swap3A_348 = arith.constant 816 : index
    %swap3A_349 = tpu.vector_load %arg8[%swap3A_348] {strides = array<i32>} : memref<1024xf32, #tpu.memory_space<vmem>>, vector<16xf32>,
    tpu.vector_store %arg8[%swap3A_348], %gather3A_347 {strides = array<i32>} : memref<1024xf32, #tpu.memory_space<vmem>>, vector<16xf32>,
    %broadcast_in_dim3A_350 = arith.constant 52 : i32
    %broadcast_in_dim3A_351 = vector.broadcast %broadcast_in_dim3A_350 : i32 to vector<16xi32>
    %gather3A_352 = tpu.vector_load_idx %arg7[%broadcast_in_dim3A_351] : memref<64xf32, #tpu.memory_space<vmem>>[vector<16xi32>], vector<16xf32>,
    %swap3A_353 = arith.constant 832 : index
    %swap3A_354 = tpu.vector_load %arg8[%swap3A_353] {strides = array<i32>} : memref<1024xf32, #tpu.memory_space<vmem>>, vector<16xf32>,
    tpu.vector_store %arg8[%swap3A_353], %gather3A_352 {strides = array<i32>} : memref<1024xf32, #tpu.memory_space<vmem>>, vector<16xf32>,
    %broadcast_in_dim3A_355 = arith.constant 53 : i32
    %broadcast_in_dim3A_356 = vector.broadcast %broadcast_in_dim3A_355 : i32 to vector<16xi32>
    %gather3A_357 = tpu.vector_load_idx %arg7[%broadcast_in_dim3A_356] : memref<64xf32, #tpu.memory_space<vmem>>[vector<16xi32>], vector<16xf32>,
    %swap3A_358 = arith.constant 848 : index
    %swap3A_359 = tpu.vector_load %arg8[%swap3A_358] {strides = array<i32>} : memref<1024xf32, #tpu.memory_space<vmem>>, vector<16xf32>,
    tpu.vector_store %arg8[%swap3A_358], %gather3A_357 {strides = array<i32>} : memref<1024xf32, #tpu.memory_space<vmem>>, vector<16xf32>,
    %broadcast_in_dim3A_360 = arith.constant 54 : i32
    %broadcast_in_dim3A_361 = vector.broadcast %broadcast_in_dim3A_360 : i32 to vector<16xi32>
    %gather3A_362 = tpu.vector_load_idx %arg7[%broadcast_in_dim3A_361] : memref<64xf32, #tpu.memory_space<vmem>>[vector<16xi32>], vector<16xf32>,
    %swap3A_363 = arith.constant 864 : index
    %swap3A_364 = tpu.vector_load %arg8[%swap3A_363] {strides = array<i32>} : memref<1024xf32, #tpu.memory_space<vmem>>, vector<16xf32>,
    tpu.vector_store %arg8[%swap3A_363], %gather3A_362 {strides = array<i32>} : memref<1024xf32, #tpu.memory_space<vmem>>, vector<16xf32>,
    %broadcast_in_dim3A_365 = arith.constant 55 : i32
    %broadcast_in_dim3A_366 = vector.broadcast %broadcast_in_dim3A_365 : i32 to vector<16xi32>
    %gather3A_367 = tpu.vector_load_idx %arg7[%broadcast_in_dim3A_366] : memref<64xf32, #tpu.memory_space<vmem>>[vector<16xi32>], vector<16xf32>,
    %swap3A_368 = arith.constant 880 : index
    %swap3A_369 = tpu.vector_load %arg8[%swap3A_368] {strides = array<i32>} : memref<1024xf32, #tpu.memory_space<vmem>>, vector<16xf32>,
    tpu.vector_store %arg8[%swap3A_368], %gather3A_367 {strides = array<i32>} : memref<1024xf32, #tpu.memory_space<vmem>>, vector<16xf32>,
    %broadcast_in_dim3A_370 = arith.constant 56 : i32
    %broadcast_in_dim3A_371 = vector.broadcast %broadcast_in_dim3A_370 : i32 to vector<16xi32>
    %gather3A_372 = tpu.vector_load_idx %arg7[%broadcast_in_dim3A_371] : memref<64xf32, #tpu.memory_space<vmem>>[vector<16xi32>], vector<16xf32>,
    %swap3A_373 = arith.constant 896 : index
    %swap3A_374 = tpu.vector_load %arg8[%swap3A_373] {strides = array<i32>} : memref<1024xf32, #tpu.memory_space<vmem>>, vector<16xf32>,
    tpu.vector_store %arg8[%swap3A_373], %gather3A_372 {strides = array<i32>} : memref<1024xf32, #tpu.memory_space<vmem>>, vector<16xf32>,
    %broadcast_in_dim3A_375 = arith.constant 57 : i32
    %broadcast_in_dim3A_376 = vector.broadcast %broadcast_in_dim3A_375 : i32 to vector<16xi32>
    %gather3A_377 = tpu.vector_load_idx %arg7[%broadcast_in_dim3A_376] : memref<64xf32, #tpu.memory_space<vmem>>[vector<16xi32>], vector<16xf32>,
    %swap3A_378 = arith.constant 912 : index
    %swap3A_379 = tpu.vector_load %arg8[%swap3A_378] {strides = array<i32>} : memref<1024xf32, #tpu.memory_space<vmem>>, vector<16xf32>,
    tpu.vector_store %arg8[%swap3A_378], %gather3A_377 {strides = array<i32>} : memref<1024xf32, #tpu.memory_space<vmem>>, vector<16xf32>,
    %broadcast_in_dim3A_380 = arith.constant 58 : i32
    %broadcast_in_dim3A_381 = vector.broadcast %broadcast_in_dim3A_380 : i32 to vector<16xi32>
    %gather3A_382 = tpu.vector_load_idx %arg7[%broadcast_in_dim3A_381] : memref<64xf32, #tpu.memory_space<vmem>>[vector<16xi32>], vector<16xf32>,
    %swap3A_383 = arith.constant 928 : index
    %swap3A_384 = tpu.vector_load %arg8[%swap3A_383] {strides = array<i32>} : memref<1024xf32, #tpu.memory_space<vmem>>, vector<16xf32>,
    tpu.vector_store %arg8[%swap3A_383], %gather3A_382 {strides = array<i32>} : memref<1024xf32, #tpu.memory_space<vmem>>, vector<16xf32>,
    %broadcast_in_dim3A_385 = arith.constant 59 : i32
    %broadcast_in_dim3A_386 = vector.broadcast %broadcast_in_dim3A_385 : i32 to vector<16xi32>
    %gather3A_387 = tpu.vector_load_idx %arg7[%broadcast_in_dim3A_386] : memref<64xf32, #tpu.memory_space<vmem>>[vector<16xi32>], vector<16xf32>,
    %swap3A_388 = arith.constant 944 : index
    %swap3A_389 = tpu.vector_load %arg8[%swap3A_388] {strides = array<i32>} : memref<1024xf32, #tpu.memory_space<vmem>>, vector<16xf32>,
    tpu.vector_store %arg8[%swap3A_388], %gather3A_387 {strides = array<i32>} : memref<1024xf32, #tpu.memory_space<vmem>>, vector<16xf32>,
    %broadcast_in_dim3A_390 = arith.constant 60 : i32
    %broadcast_in_dim3A_391 = vector.broadcast %broadcast_in_dim3A_390 : i32 to vector<16xi32>
    %gather3A_392 = tpu.vector_load_idx %arg7[%broadcast_in_dim3A_391] : memref<64xf32, #tpu.memory_space<vmem>>[vector<16xi32>], vector<16xf32>,
    %swap3A_393 = arith.constant 960 : index
    %swap3A_394 = tpu.vector_load %arg8[%swap3A_393] {strides = array<i32>} : memref<1024xf32, #tpu.memory_space<vmem>>, vector<16xf32>,
    tpu.vector_store %arg8[%swap3A_393], %gather3A_392 {strides = array<i32>} : memref<1024xf32, #tpu.memory_space<vmem>>, vector<16xf32>,
    %broadcast_in_dim3A_395 = arith.constant 61 : i32
    %broadcast_in_dim3A_396 = vector.broadcast %broadcast_in_dim3A_395 : i32 to vector<16xi32>
    %gather3A_397 = tpu.vector_load_idx %arg7[%broadcast_in_dim3A_396] : memref<64xf32, #tpu.memory_space<vmem>>[vector<16xi32>], vector<16xf32>,
    %swap3A_398 = arith.constant 976 : index
    %swap3A_399 = tpu.vector_load %arg8[%swap3A_398] {strides = array<i32>} : memref<1024xf32, #tpu.memory_space<vmem>>, vector<16xf32>,
    tpu.vector_store %arg8[%swap3A_398], %gather3A_397 {strides = array<i32>} : memref<1024xf32, #tpu.memory_space<vmem>>, vector<16xf32>,
    %broadcast_in_dim3A_400 = arith.constant 62 : i32
    %broadcast_in_dim3A_401 = vector.broadcast %broadcast_in_dim3A_400 : i32 to vector<16xi32>
    %gather3A_402 = tpu.vector_load_idx %arg7[%broadcast_in_dim3A_401] : memref<64xf32, #tpu.memory_space<vmem>>[vector<16xi32>], vector<16xf32>,
    %swap3A_403 = arith.constant 992 : index
    %swap3A_404 = tpu.vector_load %arg8[%swap3A_403] {strides = array<i32>} : memref<1024xf32, #tpu.memory_space<vmem>>, vector<16xf32>,
    tpu.vector_store %arg8[%swap3A_403], %gather3A_402 {strides = array<i32>} : memref<1024xf32, #tpu.memory_space<vmem>>, vector<16xf32>,
    %broadcast_in_dim3A_405 = arith.constant 63 : i32
    %broadcast_in_dim3A_406 = vector.broadcast %broadcast_in_dim3A_405 : i32 to vector<16xi32>
    %gather3A_407 = tpu.vector_load_idx %arg7[%broadcast_in_dim3A_406] : memref<64xf32, #tpu.memory_space<vmem>>[vector<16xi32>], vector<16xf32>,
    %swap3A_408 = arith.constant 1008 : index
    %swap3A_409 = tpu.vector_load %arg8[%swap3A_408] {strides = array<i32>} : memref<1024xf32, #tpu.memory_space<vmem>>, vector<16xf32>,
    tpu.vector_store %arg8[%swap3A_408], %gather3A_407 {strides = array<i32>} : memref<1024xf32, #tpu.memory_space<vmem>>, vector<16xf32>,
    %broadcast_in_dim3A_410 = arith.constant 0.000000e+00 : f32
    %broadcast_in_dim3A_411 = vector.broadcast %broadcast_in_dim3A_410 : f32 to vector<16xf32>
    %parallel_loop3A = arith.constant 0 : i32
    %parallel_loop3A_412 = arith.constant 1600 : i32
    %parallel_loop3A_413 = arith.constant 8 : i32
    scf.for %parallel_loop3A_428 = %parallel_loop3A to %parallel_loop3A_412 step %parallel_loop3A_413  : i32 {
      %parallel_loop3A_429 = arith.constant 0 : i32
      %parallel_loop3A_430 = arith.addi %parallel_loop3A_428, %parallel_loop3A_429 : i32
      %parallel_loop3A_431 = arith.constant 16 : i32
      %parallel_loop3A_432 = arith.muli %parallel_loop3A_430, %parallel_loop3A_431 : i32
      %parallel_loop3A_433 = arith.index_cast %parallel_loop3A_432 : i32 to index
      %parallel_loop3A_434 = tpu.vector_load %arg6[%parallel_loop3A_433] {strides = array<i32>} : memref<25600xf32, #tpu.memory_space<vmem>>, vector<16xf32>,
      tpu.vector_store %arg6[%parallel_loop3A_433], %broadcast_in_dim3A_411 {strides = array<i32>} : memref<25600xf32, #tpu.memory_space<vmem>>, vector<16xf32>,
      %parallel_loop3A_435 = arith.constant 1 : i32
      %parallel_loop3A_436 = arith.addi %parallel_loop3A_428, %parallel_loop3A_435 : i32
      %parallel_loop3A_437 = arith.constant 16 : i32
      %parallel_loop3A_438 = arith.muli %parallel_loop3A_436, %parallel_loop3A_437 : i32
      %parallel_loop3A_439 = arith.index_cast %parallel_loop3A_438 : i32 to index
      %parallel_loop3A_440 = tpu.vector_load %arg6[%parallel_loop3A_439] {strides = array<i32>} : memref<25600xf32, #tpu.memory_space<vmem>>, vector<16xf32>,
      tpu.vector_store %arg6[%parallel_loop3A_439], %broadcast_in_dim3A_411 {strides = array<i32>} : memref<25600xf32, #tpu.memory_space<vmem>>, vector<16xf32>,
      %parallel_loop3A_441 = arith.constant 2 : i32
      %parallel_loop3A_442 = arith.addi %parallel_loop3A_428, %parallel_loop3A_441 : i32
      %parallel_loop3A_443 = arith.constant 16 : i32
      %parallel_loop3A_444 = arith.muli %parallel_loop3A_442, %parallel_loop3A_443 : i32
      %parallel_loop3A_445 = arith.index_cast %parallel_loop3A_444 : i32 to index
      %parallel_loop3A_446 = tpu.vector_load %arg6[%parallel_loop3A_445] {strides = array<i32>} : memref<25600xf32, #tpu.memory_space<vmem>>, vector<16xf32>,
      tpu.vector_store %arg6[%parallel_loop3A_445], %broadcast_in_dim3A_411 {strides = array<i32>} : memref<25600xf32, #tpu.memory_space<vmem>>, vector<16xf32>,
      %parallel_loop3A_447 = arith.constant 3 : i32
      %parallel_loop3A_448 = arith.addi %parallel_loop3A_428, %parallel_loop3A_447 : i32
      %parallel_loop3A_449 = arith.constant 16 : i32
      %parallel_loop3A_450 = arith.muli %parallel_loop3A_448, %parallel_loop3A_449 : i32
      %parallel_loop3A_451 = arith.index_cast %parallel_loop3A_450 : i32 to index
      %parallel_loop3A_452 = tpu.vector_load %arg6[%parallel_loop3A_451] {strides = array<i32>} : memref<25600xf32, #tpu.memory_space<vmem>>, vector<16xf32>,
      tpu.vector_store %arg6[%parallel_loop3A_451], %broadcast_in_dim3A_411 {strides = array<i32>} : memref<25600xf32, #tpu.memory_space<vmem>>, vector<16xf32>,
      %parallel_loop3A_453 = arith.constant 4 : i32
      %parallel_loop3A_454 = arith.addi %parallel_loop3A_428, %parallel_loop3A_453 : i32
      %parallel_loop3A_455 = arith.constant 16 : i32
      %parallel_loop3A_456 = arith.muli %parallel_loop3A_454, %parallel_loop3A_455 : i32
      %parallel_loop3A_457 = arith.index_cast %parallel_loop3A_456 : i32 to index
      %parallel_loop3A_458 = tpu.vector_load %arg6[%parallel_loop3A_457] {strides = array<i32>} : memref<25600xf32, #tpu.memory_space<vmem>>, vector<16xf32>,
      tpu.vector_store %arg6[%parallel_loop3A_457], %broadcast_in_dim3A_411 {strides = array<i32>} : memref<25600xf32, #tpu.memory_space<vmem>>, vector<16xf32>,
      %parallel_loop3A_459 = arith.constant 5 : i32
      %parallel_loop3A_460 = arith.addi %parallel_loop3A_428, %parallel_loop3A_459 : i32
      %parallel_loop3A_461 = arith.constant 16 : i32
      %parallel_loop3A_462 = arith.muli %parallel_loop3A_460, %parallel_loop3A_461 : i32
      %parallel_loop3A_463 = arith.index_cast %parallel_loop3A_462 : i32 to index
      %parallel_loop3A_464 = tpu.vector_load %arg6[%parallel_loop3A_463] {strides = array<i32>} : memref<25600xf32, #tpu.memory_space<vmem>>, vector<16xf32>,
      tpu.vector_store %arg6[%parallel_loop3A_463], %broadcast_in_dim3A_411 {strides = array<i32>} : memref<25600xf32, #tpu.memory_space<vmem>>, vector<16xf32>,
      %parallel_loop3A_465 = arith.constant 6 : i32
      %parallel_loop3A_466 = arith.addi %parallel_loop3A_428, %parallel_loop3A_465 : i32
      %parallel_loop3A_467 = arith.constant 16 : i32
      %parallel_loop3A_468 = arith.muli %parallel_loop3A_466, %parallel_loop3A_467 : i32
      %parallel_loop3A_469 = arith.index_cast %parallel_loop3A_468 : i32 to index
      %parallel_loop3A_470 = tpu.vector_load %arg6[%parallel_loop3A_469] {strides = array<i32>} : memref<25600xf32, #tpu.memory_space<vmem>>, vector<16xf32>,
      tpu.vector_store %arg6[%parallel_loop3A_469], %broadcast_in_dim3A_411 {strides = array<i32>} : memref<25600xf32, #tpu.memory_space<vmem>>, vector<16xf32>,
      %parallel_loop3A_471 = arith.constant 7 : i32
      %parallel_loop3A_472 = arith.addi %parallel_loop3A_428, %parallel_loop3A_471 : i32
      %parallel_loop3A_473 = arith.constant 16 : i32
      %parallel_loop3A_474 = arith.muli %parallel_loop3A_472, %parallel_loop3A_473 : i32
      %parallel_loop3A_475 = arith.index_cast %parallel_loop3A_474 : i32 to index
      %parallel_loop3A_476 = tpu.vector_load %arg6[%parallel_loop3A_475] {strides = array<i32>} : memref<25600xf32, #tpu.memory_space<vmem>>, vector<16xf32>,
      tpu.vector_store %arg6[%parallel_loop3A_475], %broadcast_in_dim3A_411 {strides = array<i32>} : memref<25600xf32, #tpu.memory_space<vmem>>, vector<16xf32>,
    } {sc.loop_unroll_factor = 2 : i64, sc.parallel_access}
    %dma_wait3A = tpu.memref_slice %arg2[%mul3A_4] : memref<2097152xi32, #tpu.memory_space<hbm>> -> memref<65536xi32, #tpu.memory_space<hbm>>
    %dma_wait3A_414 = tpu.memref_slice %arg2[%mul3A_4] : memref<2097152xi32, #tpu.memory_space<hbm>> -> memref<65536xi32, #tpu.memory_space<hbm>>
    tpu.wait_dma2 semaphore(%arg10 : memref<!tpu.dma_semaphore, #tpu.memory_space<semaphore_mem>>) src(%dma_wait3A_414 : memref<65536xi32, #tpu.memory_space<hbm>>) dst(%arg5 : memref<65536xi32, #tpu.memory_space<vmem>>)
    %mul3A_415 = arith.constant 64 : i32
    %mul3A_416 = vector.broadcast %mul3A_415 : i32 to vector<16xi32>
    %mul3A_417 = arith.muli %iota3A, %mul3A_416 : vector<16xi32>
    %mul3A_418 = arith.constant 25 : i32
    %mul3A_419 = vector.broadcast %mul3A_418 : i32 to vector<16xi32>
    %mul3A_420 = arith.muli %iota3A, %mul3A_419 : vector<16xi32>
    %scan3A = arith.constant 0 : i32
    %scan3A_421 = arith.constant 0 : i32
    %scan3A_422 = arith.constant 64 : i32
    %scan3A_423 = arith.addi %scan3A_421, %scan3A_422 : i32
    %scan3A_424 = arith.constant 1 : i32
    scf.for %scan3A_428 = %scan3A_421 to %scan3A_423 step %scan3A_424  : i32 {
      %mul3A_429 = arith.constant 16 : i32
      %mul3A_430 = arith.muli %scan3A_428, %mul3A_429 : i32
      %get3A_431 = arith.index_cast %mul3A_430 : i32 to index
      %get3A_432 = tpu.vector_load %arg8[%get3A_431] {strides = array<i32>} : memref<1024xf32, #tpu.memory_space<vmem>>, vector<16xf32>,
      %parallel_loop3A_433 = arith.constant 0 : i32
      %parallel_loop3A_434 = arith.constant 64 : i32
      %parallel_loop3A_435 = arith.constant 1 : i32
      scf.for %parallel_loop3A_436 = %parallel_loop3A_433 to %parallel_loop3A_434 step %parallel_loop3A_435  : i32 {
        %parallel_loop3A_437 = arith.constant 1024 : i32
        %parallel_loop3A_438 = arith.muli %parallel_loop3A_436, %parallel_loop3A_437 : i32
        %parallel_loop3A_439 = arith.addi %parallel_loop3A_438, %scan3A_428 : i32
        %parallel_loop3A_440 = vector.broadcast %parallel_loop3A_439 : i32 to vector<16xi32>
        %parallel_loop3A_441 = arith.addi %mul3A_417, %parallel_loop3A_440 : vector<16xi32>
        %parallel_loop3A_442 = tpu.vector_load_idx %arg5[%parallel_loop3A_441] : memref<65536xi32, #tpu.memory_space<vmem>>[vector<16xi32>], vector<16xi32>,
        %parallel_loop3A_443 = arith.constant 400 : i32
        %parallel_loop3A_444 = arith.muli %parallel_loop3A_436, %parallel_loop3A_443 : i32
        %parallel_loop3A_445 = vector.broadcast %parallel_loop3A_444 : i32 to vector<16xi32>
        %parallel_loop3A_446 = arith.addi %mul3A_420, %parallel_loop3A_445 : vector<16xi32>
        %parallel_loop3A_447 = arith.addi %parallel_loop3A_446, %parallel_loop3A_442 : vector<16xi32>
        tpu.vector_store_idx %arg6[%parallel_loop3A_447], %get3A_432 {add = true} : memref<25600xf32, #tpu.memory_space<vmem>>[vector<16xi32>], vector<16xf32>,
      } {sc.loop_unroll_factor = 8 : i64, sc.parallel_access}
    }
    %scan3A_425 = arith.constant 64 : i32
    %mul3A_426 = arith.constant 25 : i32
    %mul3A_427 = arith.muli %mul3A_2, %mul3A_426 : i32
    "tpu.region"() ({
      %run_scoped3A = tpu.sem_alloc : memref<!tpu.dma_semaphore, #tpu.memory_space<semaphore_mem>>
      %dma_start3A_428 = tpu.memref_slice %arg4[%mul3A_427] : memref<819200xf32, #tpu.memory_space<hbm>> -> memref<25600xf32, #tpu.memory_space<hbm>>
      %dma_start3A_429 = tpu.memref_slice %arg4[%mul3A_427] : memref<819200xf32, #tpu.memory_space<hbm>> -> memref<25600xf32, #tpu.memory_space<hbm>>
      tpu.enqueue_dma source(%arg6 : memref<25600xf32, #tpu.memory_space<vmem>>) target(%dma_start3A_429 : memref<25600xf32, #tpu.memory_space<hbm>>) target_semaphore(%run_scoped3A : memref<!tpu.dma_semaphore, #tpu.memory_space<semaphore_mem>>)
      %dma_wait3A_430 = tpu.memref_slice %arg4[%mul3A_427] : memref<819200xf32, #tpu.memory_space<hbm>> -> memref<25600xf32, #tpu.memory_space<hbm>>
      %dma_wait3A_431 = tpu.memref_slice %arg4[%mul3A_427] : memref<819200xf32, #tpu.memory_space<hbm>> -> memref<25600xf32, #tpu.memory_space<hbm>>
      tpu.wait_dma2 semaphore(%run_scoped3A : memref<!tpu.dma_semaphore, #tpu.memory_space<semaphore_mem>>) src(%arg6 : memref<25600xf32, #tpu.memory_space<vmem>>) dst(%dma_wait3A_431 : memref<25600xf32, #tpu.memory_space<hbm>>)
      tpu.yield
    }) : () -> ()
    return
  }
}

</mosaic_0001>

<sc_bundles>
// kernel: kernel.3.cloned.1.call-start
scs
__scs_entry_jumppad:
0x0: {  	(pc) =	sbr.rel $0x88, $3  }
0x1: {  	(tag) =	ssettag $0x0;
	lr =	simm.s32 $0x1  }
0x2: {  	[smem:$0x3F9F] =	sst lr;
	_ =	strace $0xD0000000  }
0x3: {  	_ = 	snop  }
0x4: {  	_ = 	snop  }
0x5: {  	_ = 	snop  }
0x6: {  	_ = 	snop  }
0x7: {  	_ = 	snop  }
__scs_overlays_trampoline_lowered:
0x8: {  	[smem:$0x3FAE] =	sst s0  }
0x9: {  	[smem:$0x3FAF] =	sst s1  }
0xa: {  	[smem:$0x3FB0] =	sst s2  }
0xb: {  	[smem:$0x3FB1] =	sst s3  }
0xc: {  	[smem:$0x3FB2] =	sst s4  }
0xd: {  	[smem:$0x3FB3] =	sst s5  }
0xe: {  	[smem:$0x3FB4] =	sst s6  }
0xf: {  	[smem:$0x3FB5] =	sst s7  }
0x10: {  	[smem:$0x3FB6] =	sst s8  }
0x11: {  	[smem:$0x3FB7] =	sst s9;
	s0 =	simm.s32 @!p0 $0x0  }
0x12: {  	s1 =	sld [smem:$0x3F9D];
	s0 =	simm.s32 @p0 $0x1  }
0x13: {  	[smem:$0x3FB8] =	sst s0;
	s0 =	simm.s32 @!p1 $0x0  }
0x14: {  	s2 =	sld [smem:$0x3F9C];
	s0 =	simm.s32 @p1 $0x1  }
0x15: {  	[smem:$0x3FB9] =	sst s0;
	s0 =	simm.s32 @!p2 $0x0  }
0x16: {  	s3 =	sld [smem:$0x3FDB];
	s0 =	simm.s32 @p2 $0x1  }
0x17: {  	s4 =	simm.s32 $0x1BF5;
	[smem:$0x3FBB] =	sst s0  }
0x18: {  	s0 =	sld [smem:$0x3F9E];
	_ =	swait.ge [sflag:s4], $0x0  }
0x19: {  	s7 =	sld [smem:$0x3F9F]  }
0x1a: {  	s8 =	sadd.s32 $0xFFFFE003, lr  }
0x1b: {  	s9 =	sadd.s32 $0xFFFFFEF7, lr;
	s5 =	simm.s32 $0xFFFFFFFF;
	p2 =	slt.u32 s8, $0xFFFFF086  }
0x1c: {  	p1 =	slt.u32 s9, $0xF7A;
	s5 =	simm.s32 @!p2 $0x0  }
0x1d: {  	s5 =	simm.s32 @p1 $0x1;
	p0 =	seq.s32 s7, s2  }
0x1e: {  	s7 =	smul.u32 @!p0 $0xF7A, s2;
	p2 =	seq.s32 @!p0 s5, $0x0  }
0x1f: {  	s9 =	smul.u32 $0xF7A, s1;
	s8 =	simm.s32 @!p0 $0x1BF5;
	p2 =	por !p2, p0  }
0x20: {  	[sflag:s8] =	ssyncset.s32 @!p0 $0xFFFFF086;
	s6 =	sadd.s32 @!p0 s3, s7;
	s7 =	simm.s32 @!p0 $0x108  }
0x21: {  	s3 =	sadd.s32 s3, s9;
	s6 =	sadd.s32 @!p0 $0x88, s6;
	s7 =	simm.s32 @p2 $0x1082  }
0x22: {  	[simem:s7], [sflag:s8] =	dma.local @!p0 [hbm:s6], $0xF7A  }
0x23: {  	s9 =	sor.u32 $0xD0000000, s2;
	s6 =	simm.s32 $0x108;
	_ =	swait.ge @!p0 [sflag:s8], $0x0  }
0x24: {  	s3 =	sadd.s32 $0x88, s3;
	s6 =	simm.s32 @!p1 $0x1082;
	[sflag:s4] =	ssyncset.s32 $0xFFFFF086  }
0x25: {  	[simem:s6], [sflag:s4] =	dma.local [hbm:s3], $0xF7A  }
0x26: {  	[smem:$0x3F9F] =	sst s1;
	(tag) =	ssettag s2;
	_ =	strace s9  }
0x27: {  	s1 =	sld [smem:$0x3FAF]  }
0x28: {  	s2 =	sld [smem:$0x3FB0]  }
0x29: {  	s4 =	sld [smem:$0x3FB2]  }
0x2a: {  	p0 =	seq.s32 s5, $0x0;
	s5 =	sld [smem:$0x3FB3]  }
0x2b: {  	s6 =	sld [smem:$0x3FB4]  }
0x2c: {  	s7 =	sld [smem:$0x3FB5]  }
0x2d: {  	s3 =	simm.s32 $0x108;
	s8 =	sld [smem:$0x3FB6]  }
0x2e: {  	s3 =	simm.s32 @!p0 $0x1082;
	s9 =	sld [smem:$0x3FB7]  }
0x2f: {  	lr =	sadd.s32 s0, s3;
	s0 =	sld [smem:$0x3FAE]  }
0x30: {  	s3 =	sld [smem:$0x3FB1]  }
0x31: {  	[smem:$0x3FBA] =	sst s10  }
0x32: {  	s10 =	sld [smem:$0x3FB8];
	_ =	sdelay $0x3  }
0x33: {  	p0 =	seq.s32 s10, $0x1;
	s10 =	sld [smem:$0x3FBA];
	_ =	sdelay $0x3  }
0x34: {  	[smem:$0x3FBA] =	sst s10  }
0x35: {  	s10 =	sld [smem:$0x3FB9];
	_ =	sdelay $0x3  }
0x36: {  	p1 =	seq.s32 s10, $0x1;
	s10 =	sld [smem:$0x3FBA];
	_ =	sdelay $0x3  }
0x37: {  	[smem:$0x3FBA] =	sst s10  }
0x38: {  	s10 =	sld [smem:$0x3FBB]  }
0x39: {  	_ = 	snop;
	(pc) =	sbr.ind lr, $3  }
0x3a: {  	_ = 	snop  }
0x3b: {  	_ = 	snop  }
0x3c: {  	p2 =	seq.s32 s10, $0x1;
	s10 =	sld [smem:$0x3FBA]  }
0x3d: {  	_ =	shalt  }
0x3e: {  	_ =	shalt  }
0x3f: {  	_ =	shalt  }
0x40: {  	_ =	shalt  }
0x41: {  	_ =	shalt  }
0x42: {  	_ =	shalt  }
0x43: {  	_ =	shalt  }
0x44: {  	_ =	shalt  }
0x45: {  	_ =	shalt  }
0x46: {  	_ =	shalt  }
0x47: {  	_ =	shalt  }
0x48: {  	_ =	shalt  }
0x49: {  	_ =	shalt  }
0x4a: {  	_ =	shalt  }
0x4b: {  	_ =	shalt  }
0x4c: {  	_ =	shalt  }
0x4d: {  	_ =	shalt  }
0x4e: {  	_ =	shalt  }
0x4f: {  	_ =	shalt  }
0x50: {  	_ =	shalt  }
0x51: {  	_ =	shalt  }
0x52: {  	_ =	shalt  }
0x53: {  	_ =	shalt  }
0x54: {  	_ =	shalt  }
0x55: {  	_ =	shalt  }
0x56: {  	_ =	shalt  }
0x57: {  	_ =	shalt  }
0x58: {  	_ =	shalt  }
0x59: {  	_ =	shalt  }
0x5a: {  	_ =	shalt  }
0x5b: {  	_ =	shalt  }
0x5c: {  	_ =	shalt  }
0x5d: {  	_ =	shalt  }
0x5e: {  	_ =	shalt  }
0x5f: {  	_ =	shalt  }
0x60: {  	_ =	shalt  }
0x61: {  	_ =	shalt  }
0x62: {  	_ =	shalt  }
0x63: {  	_ =	shalt  }
0x64: {  	_ =	shalt  }
0x65: {  	_ =	shalt  }
0x66: {  	_ =	shalt  }
0x67: {  	_ =	shalt  }
0x68: {  	_ =	shalt  }
0x69: {  	_ =	shalt  }
0x6a: {  	_ =	shalt  }
0x6b: {  	_ =	shalt  }
0x6c: {  	_ =	shalt  }
0x6d: {  	_ =	shalt  }
0x6e: {  	_ =	shalt  }
0x6f: {  	_ =	shalt  }
0x70: {  	_ =	shalt  }
0x71: {  	_ =	shalt  }
0x72: {  	_ =	shalt  }
0x73: {  	_ =	shalt  }
0x74: {  	_ =	shalt  }
0x75: {  	_ =	shalt  }
0x76: {  	_ =	shalt  }
0x77: {  	_ =	shalt  }
0x78: {  	_ =	shalt  }
0x79: {  	_ =	shalt  }
0x7a: {  	_ =	shalt  }
0x7b: {  	_ =	shalt  }
0x7c: {  	_ =	shalt  }
0x7d: {  	_ =	shalt  }
0x7e: {  	_ =	shalt  }
0x7f: {  	_ =	shalt  }
0x80: {  	_ =	shalt  }
0x81: {  	_ =	shalt  }
0x82: {  	_ =	shalt  }
0x83: {  	_ =	shalt  }
0x84: {  	_ =	shalt  }
0x85: {  	_ =	shalt  }
0x86: {  	_ =	shalt  }
0x87: {  	_ =	shalt  }
.Lfunc_end0:
.L_simem_size_0:
called_computation_lowered:
.L_overlay_start_0:
0x88: {  	s2 =	sld [smem:$0x3FD9]  }
0x89: {  	s3 =	sld [smem:$0x3FFE];
	_ =	sdelay $0x1  }
0x8a: {  	s1 =	srdreg.scid  }
0x8b: {  	s0 =	sand.u32 $0x1, s1  }
0x8c: {  	s17 =	sshll.u32 s0, $0xA;
	s2 =	sadd.s32 s3, s2  }
0x8d: {  	s2 =	sadd.s32 s2, s17  }
0x8e: {  	[smem:$0x3FC6] =	sst s2  }
0x8f: {  	_ = 	snop  }
0x90: {  	s2 =	sld [smem:$0x3FC8]  }
0x91: {  	s18 =	sld [smem:$0x3FD0];
	(tm) =	ssettm $0x1  }
0x92: {  	s4 =	sld [smem:$0x3FFB];
	_ =	sdelay $0x3  }
0x93: {  	_ =	strace s4  }
0x94: {  	s4 =	sld [smem:$0x3FFC];
	_ =	sdelay $0x3  }
0x95: {  	_ =	strace s4  }
0x96: {  	s4 =	sld [smem:$0x3FFD];
	_ =	sdelay $0x3  }
0x97: {  	_ =	strace s4  }
0x98: {  	_ =	strace $0x8FFFFFFF  }
0x99: {  	s19 =	sld [smem:$0x3FDB];
	_ =	sdelay $0x1  }
0x9a: {  	s5 =	simm.s32 $_scs_section_size  }
0x9b: {  	s6 =	simm.s32 $_size__tile_overlayer_lowered;
	s7 =	simm.s32 $_tile_overlayer_lowered  }
0x9c: {  	s22 =	simm.s32 $0x1BFF;
	s21 =	sshll.u32 s7, $0x1;
	s4 =	sadd.s32 s5, s19  }
0x9d: {  	s8 =	simm.s32 $0x0;
	s20 =	sshll.u32 s6, $0x1;
	s6 =	sadd.s32 s21, s4  }
0x9e: {  	[timem:s8], [sflag:s22] =	dma.local [hbm:s6], s20  }
0x9f: {  	_ =	swait.ge [sflag:s22], s20  }
0xa0: {  	s5 =	ssub.s32 $0x0, s20;
	[sflag:s22] =	ssyncset.done $0x0  }
0xa1: {  	[sflag:s22] =	ssyncadd.s32 s5;
	_ =	sdelay $0x1  }
0xa2: {  	s23 =	simm.s32 $0x1B8B  }
0xa3: {  	_ =	swait.ge [sflag:s23], $0x1  }
0xa4: {  	[sflag:s23] =	ssyncset.done $0x0  }
0xa5: {  	s25 =	simm.s32 $0x1B8E;
	s24 =	sld [smem:$0x3FFE];
	[sflag:s23] =	ssyncadd.s32 $0xFFFFFFFF  }
0xa6: {  	s26 =	simm.s32 $execute0_lowered;
	[smem:$0x3FD2] =	sst s25  }
0xa7: {  	s6 =	sshll.u32 s26, $0x1;
	_ =	strace $0x80000046;
	[dreg:$0x1] =	wrdreg $0xFFFFFFFF  }
0xa8: {  	s28 =	simm.s32 $_size_execute0_lowered;
	s4 =	sadd.s32 s4, s6;
	[dreg:$0x0] =	wrdreg $0x0  }
0xa9: {  	s6 =	sshll.u32 s28, $0x1;
	[dreg:$0x2] =	wrdreg s4  }
0xaa: {  	[dreg:$0x3] =	wrdreg s6  }
0xab: {  	[dreg:$0x4] =	wrdreg $0xC0  }
0xac: {  	_ =	task [dreg:s8], $0x5FFFF  }
0xad: {  	[dreg:$0x1] =	wrdreg $0xFFFFFFFF  }
0xae: {  	[dreg:$0x0] =	wrdreg $0x60  }
0xaf: {  	[dreg:$0x2] =	wrdreg s24  }
0xb0: {  	[dreg:$0x3] =	wrdreg s2  }
0xb1: {  	[dreg:$0x4] =	wrdreg s18  }
0xb2: {  	[dreg:$0x5] =	wrdreg $0x9  }
0xb3: {  	_ =	task.clear_ibuf [dreg:s8], $0x6FFFF;
	_ =	strace $0x90000046  }
0xb4: {  	s29 =	simm.s32 $0x9;
	_ =	strace $0x80000048  }
0xb5: {  	_ =	swait.ge [sflag:s29], $0x1  }
0xb6: {  	[sflag:s29] =	ssyncadd.s32 $0xFFFFFFFF  }
0xb7: {  	_ =	strace $0x90000048  }
0xb8: {  	_ =	sfence  }
0xb9: {  	s30 =	sld [smem:$0x0];
	_ =	sdelay $0x2  }
0xba: {  	s31 =	sshll.u32 s1, $0xD;
	s1 =	sshrl.u32 s1, $0x2  }
0xbb: {  	s3 =	sand.u32 $0x4000, s31;
	s1 =	sadd.s32 s1, s30  }
0xbc: {  	s0 =	sor.u32 s3, s0;
	s1 =	sshll.u32 s1, $0x11  }
0xbd: {  	s0 =	sor.u32 s1, s0  }
0xbe: {  	s0 =	sadd.s32 $0x8F2B, s0  }
0xbf: {  	[sflag:s0] =	ssyncadd.remote.s32 $0x1  }
0xc0: {  	_ =	sfence.sel $0xFFFF  }
0xc1: {  	[dreg:$0x0] =	wrdreg $0xFFFFFFFF;
	(pc) =	sbr.abs _section_cstart, $3  }
0xc2: {  	[dreg:$0x1] =	wrdreg $0xFFFFFFFF  }
0xc3: {  	_ =	task.clear_ibuf [dreg:s8], $0x2FFFF;
	_ =	strace $0x9FFFFFFF  }
0xc4: {  	(tm) =	ssettm $0x7FFFFFFF  }
0xc5: {  	_ =	shalt  }
tec
execute0_lowered:
.L_overlay_start_1:
0x0: {  	(tag) =	ssettag $0x1  }
0x1: {  	v0 =	vimm.s32 $0x76543210  }
0x2: {  	v1 =	vimm.s32 $0xFEDCBA98;
	v2 =	vimm.s32 $0xBA98FEDC;
	v3 =	vimm.s32 $0x32107654  }
0x3: {  	v4 =	vimm.s32 $0xDCFE98BA;
	v5 =	vimm.s32 $0x54761032;
	v6 =	vimm.s32 $0xEFCDAB89  }
0x4: {  	v7 =	vimm.s32 $0x67452301;
	v28 =	vimm.s32 $0x19;
	v29 =	vimm.s32 $0x1A  }
0x5: {  	v30 =	vimm.s32 $0x1B;
	v31 =	vimm.s32 $0x1C;
	v32 =	vimm.s32 $0x1D  }
0x6: {  	v33 =	vimm.s32 $0x1E;
	v34 =	vimm.s32 $0x1F;
	v35 =	vimm.s32 $0x20  }
0x7: {  	v36 =	vimm.s32 $0x21;
	v37 =	vimm.s32 $0x22;
	v38 =	vimm.s32 $0x23  }
0x8: {  	v39 =	vimm.s32 $0x24;
	v40 =	vimm.s32 $0x25;
	v41 =	vimm.s32 $0x26  }
0x9: {  	v42 =	vimm.s32 $0x27;
	v43 =	vimm.s32 $0x28;
	v44 =	vimm.s32 $0x29  }
0xa: {  	v45 =	vimm.s32 $0x2A;
	v46 =	vimm.s32 $0x2B;
	v47 =	vimm.s32 $0x2C  }
0xb: {  	v48 =	vimm.s32 $0x2D;
	v49 =	vimm.s32 $0x2E;
	v50 =	vimm.s32 $0x2F  }
0xc: {  	v51 =	vimm.s32 $0x30;
	v52 =	vimm.s32 $0x31;
	v53 =	vimm.s32 $0x32  }
0xd: {  	v54 =	vimm.s32 $0x33;
	v55 =	vimm.s32 $0x34;
	v56 =	vimm.s32 $0x35  }
0xe: {  	s4 =	rddreg [dreg:$0x0];
	v57 =	vimm.s32 $0x36;
	v58 =	vimm.s32 $0x37;
	v59 =	vimm.s32 $0x38  }
0xf: {  	s0 =	rddreg [dreg:$0x1];
	v60 =	vimm.s32 $0x39;
	v61 =	vimm.s32 $0x3A;
	v62 =	vimm.s32 $0x3B  }
0x10: {  	s5 =	rddreg [dreg:$0x2];
	v63 =	vimm.s32 $0x3C;
	v8 =	vlaneseq.u32;
	v0 =	vunpack.c.l.s4.s8 v0  }
0x11: {  	s1 =	rddreg [dreg:$0x3];
	v1 =	vunpack.c.l.s4.s8 v1;
	v2 =	vunpack.c.l.s4.s8 v2;
	v3 =	vunpack.c.l.s4.s8 v3  }
0x12: {  	s6 =	srdreg.scid;
	s2 =	stileid.u32;
	v4 =	vunpack.c.l.s4.s8 v4;
	v5 =	vunpack.c.l.s4.s8 v5;
	v6 =	vunpack.c.l.s4.s8 v6  }
0x13: {  	s3 =	simm.s32 $0x0;
	s10 =	simm.s32 $0x1;
	s11 =	simm.s32 $0x10000;
	v7 =	vunpack.c.l.s4.s8 v7;
	v2 =	vunpack.c.0.s8.s32 v2;
	v3 =	vunpack.c.0.s8.s32 v3  }
0x14: {  	s12 =	simm.s32 $0x0;
	s6 =	sand.u32 $0x1, s6;
	s7 =	sshll.u32 s2, $0x1;
	v4 =	vunpack.c.0.s8.s32 v4;
	v5 =	vunpack.c.0.s8.s32 v5;
	v1 =	vunpack.c.0.s8.s32 v1  }
0x15: {  	[smem:$0x7FF] =	sst s3;
	s7 =	sor.u32 s6, s7;
	s6 =	ssub.s32 $0x2, s6;
	v6 =	vunpack.c.0.s8.s32 v6;
	v7 =	vunpack.c.0.s8.s32 v7;
	v0 =	vunpack.c.0.s8.s32 v0  }
0x16: {  	_ =	strace $0x80000047;
	s8 =	sshll.u32 s7, $0xD;
	s9 =	sshrl.u32 s6, $0x1;
	v2 =	vcombine.low v3, v2;
	v3 =	vcombine.low v5, v4;
	v1 =	vand.u32 $0xF, v1  }
0x17: {  	s7 =	smul.u32 $0xC80, s7;
	s4 =	sadd.s32 s8, s4;
	s6 =	ssub.s32 s6, s9;
	v4 =	vcombine.low v7, v6;
	v5 =	vimm.s32 $0x3E;
	v6 =	vimm.s32 $0x3F  }
0x18: {  	s8 =	simm.s32 $0x2;
	s9 =	simm.s32 $0x16880;
	s4 =	sadd.s32 $0x400, s4;
	v7 =	vimm.f32 $0.0e+00;
	v0 =	vcombine.low v1, v0;
	v1 =	vand.u32 $0xF, v2  }
0x19: {  	s5 =	sadd.s32 s5, s7;
	s6 =	smax.u32 s6, $0x1;
	s7 =	simm.s32 $0x16400;
	v2 =	vand.u32 $0xF, v3;
	v3 =	vand.u32 $0xF, v4;
	v4 =	vimm.s32 $0x3D  }
.LBB2_1:
0x1a: {  	[tilespmem:s3], [sflag:$0x1] =	stream.linear.gather [hbm4b:s4+s3], $0x10000, $0x38;
	[tilespmem:$0x16900] =	vst v63  }
0x1b: {  	_ = 	snop  }
0x1c: {  	[tilespmem:s7], [sflag:$0x2] =	stream.linear.gather [hbm4b:s0+s3], $0x80, $0x38;
	[tilespmem:$0x16900] =	vst v63  }
0x1d: {  	_ =	swait.ge [sflag:s8], $0x80  }
0x1e: {  	[sflag:s8] =	ssyncset.done $0x0  }
0x1f: {  	[sflag:s8] =	ssyncadd.s32 $0xFFFFFF80  }
0x20: {  	v9 =	vld [tilespmem:$0x16400]  }
0x21: {  	v10 =	vld [tilespmem:$0x16410]  }
0x22: {  	v11 =	vld [tilespmem:$0x16420]  }
0x23: {  	v12 =	vld [tilespmem:$0x16430];
	_ =	sdelay $0x4  }
0x24: {  	v13 =	vmax.f32 v9, v10;
	v14 =	vmax.f32 v11, v12  }
0x25: {  	v13 =	vmax.f32 v13, v14  }
0x26: {  	[tilespmem:$0x16880] =	vst v13  }
0x27: {  	v17 =	vld.idx.msk [tilespmem:v0+s9+$0x0], $0xffff;
	_ =	sdelay $0x4  }
0x28: {  	v13 =	vmax.f32 v13, v17  }
0x29: {  	[tilespmem:$0x16880] =	vst v13  }
0x2a: {  	v18 =	vld.idx.msk [tilespmem:v1+s9+$0x0], $0xffff;
	_ =	sdelay $0x4  }
0x2b: {  	v13 =	vmax.f32 v13, v18  }
0x2c: {  	[tilespmem:$0x16880] =	vst v13  }
0x2d: {  	v19 =	vld.idx.msk [tilespmem:v2+s9+$0x0], $0xffff;
	_ =	sdelay $0x4  }
0x2e: {  	v13 =	vmax.f32 v13, v19  }
0x2f: {  	[tilespmem:$0x16880] =	vst v13  }
0x30: {  	v20 =	vld.idx.msk [tilespmem:v3+s9+$0x0], $0xffff;
	_ =	sdelay $0x4  }
0x31: {  	v13 =	vmax.f32 v13, v20  }
0x32: {  	v9 =	vsub.f32 v9, v13  }
0x33: {  	v10 =	vsub.f32 v10, v13  }
0x34: {  	v9 =	vmul.f32 $1.442695020e+00, v9  }
0x35: {  	v11 =	vsub.f32 v11, v13;
	v10 =	vmul.f32 $1.442695020e+00, v10  }
0x36: {  	(erf) = vpow2.f32 v9  }
0x37: {  	v9 =	vmul.f32 $1.442695020e+00, v11;
	(erf) = vpow2.f32 v10;
	v10 =	vsub.f32 v12, v13;
	_ =	sdelay $0x1  }
0x38: {  	(erf) = vpow2.f32 v9;
	v9 =	vmul.f32 $1.442695020e+00, v10;
	_ =	sdelay $0x1  }
0x39: {  	(erf) = vpow2.f32 v9;
	_ =	sdelay $0x3  }
0x3a: {  	v9 =	vpop (erf)  }
0x3b: {  	v10 =	vpop (erf)  }
0x3c: {  	v11 =	vadd.f32 v10, v9  }
0x3d: {  	v21 =	vpop (erf)  }
0x3e: {  	v11 =	vadd.f32 v11, v21  }
0x3f: {  	v22 =	vpop (erf)  }
0x40: {  	v11 =	vadd.f32 v11, v22;
	_ =	sdelay $0x1  }
0x41: {  	[tilespmem:$0x16880] =	vst v11  }
0x42: {  	v23 =	vld.idx.msk [tilespmem:v0+s9+$0x0], $0xffff;
	_ =	sdelay $0x4  }
0x43: {  	v11 =	vadd.f32 v11, v23;
	_ =	sdelay $0x1  }
0x44: {  	[tilespmem:$0x16880] =	vst v11  }
0x45: {  	v24 =	vld.idx.msk [tilespmem:v1+s9+$0x0], $0xffff;
	_ =	sdelay $0x4  }
0x46: {  	v11 =	vadd.f32 v11, v24;
	_ =	sdelay $0x1  }
0x47: {  	[tilespmem:$0x16880] =	vst v11  }
0x48: {  	v25 =	vld.idx.msk [tilespmem:v2+s9+$0x0], $0xffff;
	_ =	sdelay $0x4  }
0x49: {  	v11 =	vadd.f32 v11, v25;
	_ =	sdelay $0x1  }
0x4a: {  	[tilespmem:$0x16880] =	vst v11  }
0x4b: {  	v26 =	vld.idx.msk [tilespmem:v3+s9+$0x0], $0xffff;
	_ =	sdelay $0x4  }
0x4c: {  	v11 =	vadd.f32 v11, v26;
	_ =	sdelay $0x1  }
0x4d: {  	(erf) = vrcp.f32 v11;
	_ =	sdelay $0x8  }
0x4e: {  	v11 =	vpop (erf)  }
0x4f: {  	v9 =	vmul.f32 v11, v9  }
0x50: {  	v10 =	vmul.f32 v11, v10  }
0x51: {  	[tilespmem:$0x16400] =	vst v9;
	v9 =	vmul.f32 v11, v21  }
0x52: {  	[tilespmem:$0x16410] =	vst v10;
	v10 =	vmul.f32 v11, v22  }
0x53: {  	[tilespmem:$0x16420] =	vst v9  }
0x54: {  	[tilespmem:$0x16430] =	vst v10  }
0x55: {  	v9 =	vld.msk [tilespmem:s7+$0x0], $0xffff;
	_ =	sdelay $0x4  }
0x56: {  	[tilespmem:$0x16480] =	vst v9;
	v9 =	vimm.s32 $0x1;
	_ =	sdelay $0x4  }
0x57: {  	v9 =	vld.idx.msk [tilespmem:v9+s7+$0x0], $0xffff;
	_ =	sdelay $0x4  }
0x58: {  	[tilespmem:$0x16490] =	vst v9;
	v9 =	vimm.s32 $0x2;
	_ =	sdelay $0x4  }
0x59: {  	v9 =	vld.idx.msk [tilespmem:v9+s7+$0x0], $0xffff;
	_ =	sdelay $0x4  }
0x5a: {  	[tilespmem:$0x164A0] =	vst v9;
	v9 =	vimm.s32 $0x3;
	_ =	sdelay $0x4  }
0x5b: {  	v9 =	vld.idx.msk [tilespmem:v9+s7+$0x0], $0xffff;
	_ =	sdelay $0x4  }
0x5c: {  	[tilespmem:$0x164B0] =	vst v9;
	v9 =	vimm.s32 $0x4;
	_ =	sdelay $0x4  }
0x5d: {  	v9 =	vld.idx.msk [tilespmem:v9+s7+$0x0], $0xffff;
	_ =	sdelay $0x4  }
0x5e: {  	[tilespmem:$0x164C0] =	vst v9;
	v9 =	vimm.s32 $0x5;
	_ =	sdelay $0x4  }
0x5f: {  	v9 =	vld.idx.msk [tilespmem:v9+s7+$0x0], $0xffff;
	_ =	sdelay $0x4  }
0x60: {  	[tilespmem:$0x164D0] =	vst v9;
	v9 =	vimm.s32 $0x6;
	_ =	sdelay $0x4  }
0x61: {  	v9 =	vld.idx.msk [tilespmem:v9+s7+$0x0], $0xffff;
	_ =	sdelay $0x4  }
0x62: {  	[tilespmem:$0x164E0] =	vst v9;
	v9 =	vimm.s32 $0x7;
	_ =	sdelay $0x4  }
0x63: {  	v9 =	vld.idx.msk [tilespmem:v9+s7+$0x0], $0xffff;
	_ =	sdelay $0x4  }
0x64: {  	[tilespmem:$0x164F0] =	vst v9;
	v9 =	vimm.s32 $0x8;
	_ =	sdelay $0x4  }
0x65: {  	v9 =	vld.idx.msk [tilespmem:v9+s7+$0x0], $0xffff;
	_ =	sdelay $0x4  }
0x66: {  	[tilespmem:$0x16500] =	vst v9;
	v9 =	vimm.s32 $0x9;
	_ =	sdelay $0x4  }
0x67: {  	v9 =	vld.idx.msk [tilespmem:v9+s7+$0x0], $0xffff;
	_ =	sdelay $0x4  }
0x68: {  	[tilespmem:$0x16510] =	vst v9;
	v9 =	vimm.s32 $0xA;
	_ =	sdelay $0x4  }
0x69: {  	v9 =	vld.idx.msk [tilespmem:v9+s7+$0x0], $0xffff;
	_ =	sdelay $0x4  }
0x6a: {  	[tilespmem:$0x16520] =	vst v9;
	v9 =	vimm.s32 $0xB;
	_ =	sdelay $0x4  }
0x6b: {  	v9 =	vld.idx.msk [tilespmem:v9+s7+$0x0], $0xffff;
	_ =	sdelay $0x4  }
0x6c: {  	[tilespmem:$0x16530] =	vst v9;
	v9 =	vimm.s32 $0xC;
	_ =	sdelay $0x4  }
0x6d: {  	v9 =	vld.idx.msk [tilespmem:v9+s7+$0x0], $0xffff;
	_ =	sdelay $0x4  }
0x6e: {  	[tilespmem:$0x16540] =	vst v9;
	v9 =	vimm.s32 $0xD;
	_ =	sdelay $0x4  }
0x6f: {  	v9 =	vld.idx.msk [tilespmem:v9+s7+$0x0], $0xffff;
	_ =	sdelay $0x4  }
0x70: {  	[tilespmem:$0x16550] =	vst v9;
	v9 =	vimm.s32 $0xE;
	_ =	sdelay $0x4  }
0x71: {  	v9 =	vld.idx.msk [tilespmem:v9+s7+$0x0], $0xffff;
	_ =	sdelay $0x4  }
0x72: {  	[tilespmem:$0x16560] =	vst v9;
	v9 =	vimm.s32 $0xF;
	_ =	sdelay $0x4  }
0x73: {  	v9 =	vld.idx.msk [tilespmem:v9+s7+$0x0], $0xffff;
	_ =	sdelay $0x4  }
0x74: {  	[tilespmem:$0x16570] =	vst v9;
	v9 =	vimm.s32 $0x10;
	_ =	sdelay $0x4  }
0x75: {  	v9 =	vld.idx.msk [tilespmem:v9+s7+$0x0], $0xffff;
	_ =	sdelay $0x4  }
0x76: {  	[tilespmem:$0x16580] =	vst v9;
	v9 =	vimm.s32 $0x11;
	_ =	sdelay $0x4  }
0x77: {  	v9 =	vld.idx.msk [tilespmem:v9+s7+$0x0], $0xffff;
	_ =	sdelay $0x4  }
0x78: {  	[tilespmem:$0x16590] =	vst v9;
	v9 =	vimm.s32 $0x12;
	_ =	sdelay $0x4  }
0x79: {  	v9 =	vld.idx.msk [tilespmem:v9+s7+$0x0], $0xffff;
	_ =	sdelay $0x4  }
0x7a: {  	[tilespmem:$0x165A0] =	vst v9;
	v9 =	vimm.s32 $0x13;
	_ =	sdelay $0x4  }
0x7b: {  	v9 =	vld.idx.msk [tilespmem:v9+s7+$0x0], $0xffff;
	_ =	sdelay $0x4  }
0x7c: {  	[tilespmem:$0x165B0] =	vst v9;
	v9 =	vimm.s32 $0x14;
	_ =	sdelay $0x4  }
0x7d: {  	v9 =	vld.idx.msk [tilespmem:v9+s7+$0x0], $0xffff;
	_ =	sdelay $0x4  }
0x7e: {  	[tilespmem:$0x165C0] =	vst v9;
	v9 =	vimm.s32 $0x15;
	_ =	sdelay $0x4  }
0x7f: {  	v9 =	vld.idx.msk [tilespmem:v9+s7+$0x0], $0xffff;
	_ =	sdelay $0x4  }
0x80: {  	[tilespmem:$0x165D0] =	vst v9;
	v9 =	vimm.s32 $0x16;
	_ =	sdelay $0x4  }
0x81: {  	v9 =	vld.idx.msk [tilespmem:v9+s7+$0x0], $0xffff;
	_ =	sdelay $0x4  }
0x82: {  	[tilespmem:$0x165E0] =	vst v9;
	v9 =	vimm.s32 $0x17;
	_ =	sdelay $0x4  }
0x83: {  	v9 =	vld.idx.msk [tilespmem:v9+s7+$0x0], $0xffff;
	_ =	sdelay $0x4  }
0x84: {  	[tilespmem:$0x165F0] =	vst v9;
	v9 =	vimm.s32 $0x18;
	_ =	sdelay $0x4  }
0x85: {  	v9 =	vld.idx.msk [tilespmem:v9+s7+$0x0], $0xffff;
	_ =	sdelay $0x4  }
0x86: {  	[tilespmem:$0x16600] =	vst v9  }
0x87: {  	v9 =	vld.idx.msk [tilespmem:v28+s7+$0x0], $0xffff;
	_ =	sdelay $0x4  }
0x88: {  	[tilespmem:$0x16610] =	vst v9  }
0x89: {  	v9 =	vld.idx.msk [tilespmem:v29+s7+$0x0], $0xffff;
	_ =	sdelay $0x4  }
0x8a: {  	[tilespmem:$0x16620] =	vst v9  }
0x8b: {  	v9 =	vld.idx.msk [tilespmem:v30+s7+$0x0], $0xffff;
	_ =	sdelay $0x4  }
0x8c: {  	[tilespmem:$0x16630] =	vst v9  }
0x8d: {  	v9 =	vld.idx.msk [tilespmem:v31+s7+$0x0], $0xffff;
	_ =	sdelay $0x4  }
0x8e: {  	[tilespmem:$0x16640] =	vst v9  }
0x8f: {  	v9 =	vld.idx.msk [tilespmem:v32+s7+$0x0], $0xffff;
	_ =	sdelay $0x4  }
0x90: {  	[tilespmem:$0x16650] =	vst v9  }
0x91: {  	v9 =	vld.idx.msk [tilespmem:v33+s7+$0x0], $0xffff;
	_ =	sdelay $0x4  }
0x92: {  	[tilespmem:$0x16660] =	vst v9  }
0x93: {  	v9 =	vld.idx.msk [tilespmem:v34+s7+$0x0], $0xffff;
	_ =	sdelay $0x4  }
0x94: {  	[tilespmem:$0x16670] =	vst v9  }
0x95: {  	v9 =	vld.idx.msk [tilespmem:v35+s7+$0x0], $0xffff;
	_ =	sdelay $0x4  }
0x96: {  	[tilespmem:$0x16680] =	vst v9  }
0x97: {  	v9 =	vld.idx.msk [tilespmem:v36+s7+$0x0], $0xffff;
	_ =	sdelay $0x4  }
0x98: {  	[tilespmem:$0x16690] =	vst v9  }
0x99: {  	v9 =	vld.idx.msk [tilespmem:v37+s7+$0x0], $0xffff;
	_ =	sdelay $0x4  }
0x9a: {  	[tilespmem:$0x166A0] =	vst v9  }
0x9b: {  	v9 =	vld.idx.msk [tilespmem:v38+s7+$0x0], $0xffff;
	_ =	sdelay $0x4  }
0x9c: {  	[tilespmem:$0x166B0] =	vst v9  }
0x9d: {  	v9 =	vld.idx.msk [tilespmem:v39+s7+$0x0], $0xffff;
	_ =	sdelay $0x4  }
0x9e: {  	[tilespmem:$0x166C0] =	vst v9  }
0x9f: {  	v9 =	vld.idx.msk [tilespmem:v40+s7+$0x0], $0xffff;
	_ =	sdelay $0x4  }
0xa0: {  	[tilespmem:$0x166D0] =	vst v9  }
0xa1: {  	v9 =	vld.idx.msk [tilespmem:v41+s7+$0x0], $0xffff;
	_ =	sdelay $0x4  }
0xa2: {  	[tilespmem:$0x166E0] =	vst v9  }
0xa3: {  	v9 =	vld.idx.msk [tilespmem:v42+s7+$0x0], $0xffff;
	_ =	sdelay $0x4  }
0xa4: {  	[tilespmem:$0x166F0] =	vst v9  }
0xa5: {  	v9 =	vld.idx.msk [tilespmem:v43+s7+$0x0], $0xffff;
	_ =	sdelay $0x4  }
0xa6: {  	[tilespmem:$0x16700] =	vst v9  }
0xa7: {  	v9 =	vld.idx.msk [tilespmem:v44+s7+$0x0], $0xffff;
	_ =	sdelay $0x4  }
0xa8: {  	[tilespmem:$0x16710] =	vst v9  }
0xa9: {  	v9 =	vld.idx.msk [tilespmem:v45+s7+$0x0], $0xffff;
	_ =	sdelay $0x4  }
0xaa: {  	[tilespmem:$0x16720] =	vst v9  }
0xab: {  	v9 =	vld.idx.msk [tilespmem:v46+s7+$0x0], $0xffff;
	_ =	sdelay $0x4  }
0xac: {  	[tilespmem:$0x16730] =	vst v9  }
0xad: {  	v9 =	vld.idx.msk [tilespmem:v47+s7+$0x0], $0xffff;
	_ =	sdelay $0x4  }
0xae: {  	[tilespmem:$0x16740] =	vst v9  }
0xaf: {  	v9 =	vld.idx.msk [tilespmem:v48+s7+$0x0], $0xffff;
	_ =	sdelay $0x4  }
0xb0: {  	[tilespmem:$0x16750] =	vst v9  }
0xb1: {  	v9 =	vld.idx.msk [tilespmem:v49+s7+$0x0], $0xffff;
	_ =	sdelay $0x4  }
0xb2: {  	[tilespmem:$0x16760] =	vst v9  }
0xb3: {  	v9 =	vld.idx.msk [tilespmem:v50+s7+$0x0], $0xffff;
	_ =	sdelay $0x4  }
0xb4: {  	[tilespmem:$0x16770] =	vst v9  }
0xb5: {  	v9 =	vld.idx.msk [tilespmem:v51+s7+$0x0], $0xffff;
	_ =	sdelay $0x4  }
0xb6: {  	[tilespmem:$0x16780] =	vst v9  }
0xb7: {  	v9 =	vld.idx.msk [tilespmem:v52+s7+$0x0], $0xffff;
	_ =	sdelay $0x4  }
0xb8: {  	[tilespmem:$0x16790] =	vst v9  }
0xb9: {  	v9 =	vld.idx.msk [tilespmem:v53+s7+$0x0], $0xffff;
	_ =	sdelay $0x4  }
0xba: {  	[tilespmem:$0x167A0] =	vst v9  }
0xbb: {  	v9 =	vld.idx.msk [tilespmem:v54+s7+$0x0], $0xffff;
	_ =	sdelay $0x4  }
0xbc: {  	[tilespmem:$0x167B0] =	vst v9  }
0xbd: {  	v9 =	vld.idx.msk [tilespmem:v55+s7+$0x0], $0xffff;
	_ =	sdelay $0x4  }
0xbe: {  	[tilespmem:$0x167C0] =	vst v9  }
0xbf: {  	v9 =	vld.idx.msk [tilespmem:v56+s7+$0x0], $0xffff;
	_ =	sdelay $0x4  }
0xc0: {  	[tilespmem:$0x167D0] =	vst v9  }
0xc1: {  	v9 =	vld.idx.msk [tilespmem:v57+s7+$0x0], $0xffff;
	_ =	sdelay $0x4  }
0xc2: {  	[tilespmem:$0x167E0] =	vst v9  }
0xc3: {  	v9 =	vld.idx.msk [tilespmem:v58+s7+$0x0], $0xffff;
	_ =	sdelay $0x4  }
0xc4: {  	[tilespmem:$0x167F0] =	vst v9  }
0xc5: {  	v9 =	vld.idx.msk [tilespmem:v59+s7+$0x0], $0xffff;
	_ =	sdelay $0x4  }
0xc6: {  	[tilespmem:$0x16800] =	vst v9  }
0xc7: {  	v9 =	vld.idx.msk [tilespmem:v60+s7+$0x0], $0xffff;
	_ =	sdelay $0x4  }
0xc8: {  	[tilespmem:$0x16810] =	vst v9  }
0xc9: {  	v9 =	vld.idx.msk [tilespmem:v61+s7+$0x0], $0xffff;
	_ =	sdelay $0x4  }
0xca: {  	[tilespmem:$0x16820] =	vst v9  }
0xcb: {  	v9 =	vld.idx.msk [tilespmem:v62+s7+$0x0], $0xffff;
	_ =	sdelay $0x4  }
0xcc: {  	[tilespmem:$0x16830] =	vst v9  }
0xcd: {  	v9 =	vld.idx.msk [tilespmem:v63+s7+$0x0], $0xffff;
	_ =	sdelay $0x4  }
0xce: {  	[tilespmem:$0x16840] =	vst v9  }
0xcf: {  	v9 =	vld.idx.msk [tilespmem:v4+s7+$0x0], $0xffff;
	_ =	sdelay $0x4  }
0xd0: {  	[tilespmem:$0x16850] =	vst v9  }
0xd1: {  	v9 =	vld.idx.msk [tilespmem:v5+s7+$0x0], $0xffff;
	_ =	sdelay $0x4  }
0xd2: {  	[tilespmem:$0x16860] =	vst v9  }
0xd3: {  	v9 =	vld.idx.msk [tilespmem:v6+s7+$0x0], $0xffff;
	_ =	sdelay $0x4  }
0xd4: {  	s13 =	simm.s32 $0x10080;
	[tilespmem:$0x16870] =	vst v9  }
0xd5: {  	[tilespmem:s13+$0xFFFFFF80] =	vst v7  }
0xd6: {  	[tilespmem:s13+$0x70] =	vst v7  }
0xd7: {  	[tilespmem:s13+$0x60] =	vst v7  }
0xd8: {  	[tilespmem:s13+$0x50] =	vst v7  }
0xd9: {  	[tilespmem:s13+$0x40] =	vst v7  }
0xda: {  	[tilespmem:s13+$0x30] =	vst v7  }
0xdb: {  	[tilespmem:s13+$0x20] =	vst v7  }
0xdc: {  	[tilespmem:s13+$0x10] =	vst v7  }
0xdd: {  	[tilespmem:s13+$0x0] =	vst v7  }
0xde: {  	[tilespmem:s13+$0xFFFFFFF0] =	vst v7  }
0xdf: {  	[tilespmem:s13+$0xFFFFFFE0] =	vst v7  }
0xe0: {  	[tilespmem:s13+$0xFFFFFFD0] =	vst v7  }
0xe1: {  	[tilespmem:s13+$0xFFFFFFC0] =	vst v7  }
0xe2: {  	[tilespmem:s13+$0xFFFFFFB0] =	vst v7  }
0xe3: {  	s14 =	simm.s32 $0x0;
	[tilespmem:s13+$0xFFFFFFA0] =	vst v7  }
.LBB2_2:
0xe4: {  	s14 =	sadd.s32 $0x10, s14;
	[tilespmem:s13+$0xFFFFFF90] =	vst v7;
	s13 =	sadd.s32 $0x100, s13  }
0xe5: {  	[tilespmem:s13+$0xFFFFFF80] =	vst v7;
	p0 =	slt.u32 s14, $0x630  }
0xe6: {  	[tilespmem:s13+$0x70] =	vst v7  }
0xe7: {  	[tilespmem:s13+$0x60] =	vst v7  }
0xe8: {  	[tilespmem:s13+$0x50] =	vst v7  }
0xe9: {  	[tilespmem:s13+$0x40] =	vst v7  }
0xea: {  	[tilespmem:s13+$0x30] =	vst v7  }
0xeb: {  	[tilespmem:s13+$0x20] =	vst v7  }
0xec: {  	[tilespmem:s13+$0x10] =	vst v7  }
0xed: {  	[tilespmem:s13+$0x0] =	vst v7  }
0xee: {  	[tilespmem:s13+$0xFFFFFFF0] =	vst v7  }
.Ltmp0:
0xef: {  	[tilespmem:s13+$0xFFFFFFE0] =	vst v7;
	(pc) =	sbr.rel @p0 .LBB2_2-.Ltmp0, $4  }
0xf0: {  	[tilespmem:s13+$0xFFFFFFD0] =	vst v7  }
0xf1: {  	[tilespmem:s13+$0xFFFFFFC0] =	vst v7  }
0xf2: {  	[tilespmem:s13+$0xFFFFFFB0] =	vst v7  }
0xf3: {  	[tilespmem:s13+$0xFFFFFFA0] =	vst v7  }
0xf4: {  	[tilespmem:s13+$0xFFFFFF90] =	vst v7  }
0xf5: {  	_ =	swait.ge [sflag:s10], $0x10000  }
0xf6: {  	[sflag:s10] =	ssyncset.done $0x0  }
0xf7: {  	s13 =	simm.s32 $0x0;
	s14 =	simm.s32 $0x1C00;
	[sflag:s10] =	ssyncadd.s32 $0xFFFF0000  }
.LBB2_4:
0xf8: {  	v11 =	vmul.u32 $0x40, v8  }
0xf9: {  	s15 =	sadd.s32 $0xFFFFE400, s14  }
0xfa: {  	s23 =	sadd.s32 $0xFFFFE800, s14;
	v9 =	vor.u32 s15, v11  }
0xfb: {  	s24 =	sadd.s32 $0xFFFFEC00, s14;
	v10 =	vor.u32 s23, v11  }
0xfc: {  	s25 =	sadd.s32 $0xFFFFF000, s14;
	v12 =	vor.u32 s24, v11  }
0xfd: {  	v13 =	vor.u32 s25, v11  }
0xfe: {  	s28 =	sadd.s32 $0xFFFFF400, s14  }
0xff: {  	v17 =	vor.u32 s28, v11;
	v9 =	vld.idx.msk [tilespmem:v9+s3+$0x0], $0xffff  }
0x100: {  	v14 =	vld.idx.msk [tilespmem:v10+s3+$0x0], $0xffff  }
0x101: {  	s26 =	sadd.s32 $0xFFFFF800, s14;
	v12 =	vld.idx.msk [tilespmem:v12+s3+$0x0], $0xffff  }
0x102: {  	v15 =	vor.u32 s26, v11;
	v13 =	vld.idx.msk [tilespmem:v13+s3+$0x0], $0xffff  }
0x103: {  	s16 =	sshll.u32 s13, $0x4;
	s17 =	sadd.s32 $0xFFFFFC00, s14;
	s18 =	simm.s32 $0x0;
	v16 =	vor.u32 s14, v11;
	v10 =	vmul.u32 $0x19, v8  }
0x104: {  	s30 =	simm.s32 $0x190;
	s29 =	sand.u32 $0x3FFFFFF0, s16;
	v18 =	vor.u32 s17, v11;
	v17 =	vld.idx.msk [tilespmem:v17+s3+$0x0], $0xffff;
	v19 =	vadd.s32 s18, v9  }
0x105: {  	s31 =	simm.s32 $0x320;
	v9 =	vld [tilespmem:s29+$0x16480];
	v14 =	vadd.s32 s30, v14;
	v19 =	vadd.s32 v10, v19  }
0x106: {  	s16 =	simm.s32 $0x4B0;
	v12 =	vadd.s32 s31, v12;
	v14 =	vadd.s32 v10, v14  }
0x107: {  	s15 =	sadd.s32 $0x2000, s14;
	v15 =	vld.idx.msk [tilespmem:v15+s3+$0x0], $0xffff;
	v13 =	vadd.s32 s16, v13;
	v12 =	vadd.s32 v10, v12  }
0x108: {  	s17 =	sadd.s32 $0xFFFFE400, s15;
	v16 =	vld.idx.msk [tilespmem:v16+s3+$0x0], $0xffff;
	v13 =	vadd.s32 v10, v13  }
0x109: {  	s23 =	simm.s32 $0x640;
	v20 =	vor.u32 s17, v11;
	v18 =	vld.idx.msk [tilespmem:v18+s3+$0x0], $0xffff;
	s18 =	sadd.s32 $0xFFFFE800, s15  }
0x10a: {  	v17 =	vadd.s32 s23, v17;
	v21 =	vor.u32 s18, v11;
	[tilespmem:v19+s11+$0x0] =	vst.idx.add.f32.msk $0xffff, v9  }
0x10b: {  	s19 =	sadd.s32 $0xFFFFEC00, s15;
	v17 =	vadd.s32 v10, v17;
	[tilespmem:v14+s11+$0x0] =	vst.idx.add.f32.msk $0xffff, v9  }
0x10c: {  	s21 =	sadd.s32 $0xFFFFF000, s15;
	v19 =	vor.u32 s19, v11;
	[tilespmem:v12+s11+$0x0] =	vst.idx.add.f32.msk $0xffff, v9  }
0x10d: {  	s20 =	simm.s32 $0xAF0;
	s22 =	sadd.s32 $0xFFFFF800, s15;
	v14 =	vor.u32 s21, v11;
	[tilespmem:v13+s11+$0x0] =	vst.idx.add.f32.msk $0xffff, v9  }
0x10e: {  	s24 =	simm.s32 $0x7D0;
	v12 =	vadd.s32 s20, v16;
	v16 =	vld.idx.msk [tilespmem:v20+s3+$0x0], $0xffff;
	v13 =	vor.u32 s22, v11  }
0x10f: {  	v15 =	vadd.s32 s24, v15;
	v20 =	vld.idx.msk [tilespmem:v21+s3+$0x0], $0xffff;
	v12 =	vadd.s32 v10, v12  }
0x110: {  	s25 =	simm.s32 $0x960;
	v21 =	vadd.s32 v10, v15;
	[tilespmem:v17+s11+$0x0] =	vst.idx.add.f32.msk $0xffff, v9  }
0x111: {  	v22 =	vor.u32 s15, v11;
	v15 =	vadd.s32 s25, v18;
	v19 =	vld.idx.msk [tilespmem:v19+s3+$0x0], $0xffff  }
0x112: {  	s28 =	sadd.s32 $0xFFFFF400, s15;
	v15 =	vadd.s32 v10, v15;
	v14 =	vld.idx.msk [tilespmem:v14+s3+$0x0], $0xffff  }
0x113: {  	s26 =	sadd.s32 $0xFFFFFC00, s15;
	s29 =	simm.s32 $0xC80;
	v18 =	vor.u32 s28, v11;
	v13 =	vld.idx.msk [tilespmem:v13+s3+$0x0], $0xffff  }
0x114: {  	s30 =	simm.s32 $0xE10;
	v16 =	vadd.s32 s29, v16;
	[tilespmem:v12+s11+$0x0] =	vst.idx.add.f32.msk $0xffff, v9;
	v12 =	vor.u32 s26, v11  }
0x115: {  	s31 =	simm.s32 $0xFA0;
	v20 =	vadd.s32 s30, v20;
	[tilespmem:v21+s11+$0x0] =	vst.idx.add.f32.msk $0xffff, v9;
	v17 =	vadd.s32 v10, v16  }
0x116: {  	s17 =	simm.s32 $0x8;
	s16 =	simm.s32 $0x1770;
	s18 =	simm.s32 $0x1130;
	v16 =	vadd.s32 v10, v20;
	v20 =	vadd.s32 s31, v19;
	v19 =	vld.idx.msk [tilespmem:v22+s3+$0x0], $0xffff  }
.LBB2_5:
0x117: {  	s17 =	sadd.s32 $0x8, s17;
	v20 =	vadd.s32 v10, v20;
	v14 =	vadd.s32 s18, v14;
	s15 =	sadd.s32 $0x2000, s15;
	[tilespmem:v15+s11+$0x0] =	vst.idx.add.f32.msk $0xffff, v9  }
0x118: {  	s19 =	sadd.s32 $0xFFFFFCE0, s16;
	s18 =	sadd.s32 $0xFFFFE400, s15;
	p0 =	slt.u32 s17, $0x38;
	v14 =	vadd.s32 v10, v14;
	v15 =	vld.idx.msk [tilespmem:v18+s3+$0x0], $0xffff  }
0x119: {  	v13 =	vadd.s32 s19, v13;
	v18 =	vor.u32 s18, v11;
	s18 =	sadd.s32 $0xFFFFE800, s15;
	v21 =	vld.idx.msk [tilespmem:v12+s3+$0x0], $0xffff  }
0x11a: {  	v12 =	vor.u32 s18, v11;
	s18 =	sadd.s32 $0xFFFFEC00, s15;
	[tilespmem:v17+s11+$0x0] =	vst.idx.add.f32.msk $0xffff, v9  }
0x11b: {  	v17 =	vor.u32 s18, v11;
	s18 =	sadd.s32 $0xFFFFF000, s15;
	[tilespmem:v16+s11+$0x0] =	vst.idx.add.f32.msk $0xffff, v9  }
0x11c: {  	v19 =	vadd.s32 s16, v19;
	v16 =	vor.u32 s18, v11;
	[tilespmem:v20+s11+$0x0] =	vst.idx.add.f32.msk $0xffff, v9  }
0x11d: {  	s19 =	sadd.s32 $0xFFFFFB50, s16;
	s18 =	sadd.s32 $0xFFFFF800, s15;
	v19 =	vadd.s32 v10, v19;
	[tilespmem:v14+s11+$0x0] =	vst.idx.add.f32.msk $0xffff, v9  }
0x11e: {  	v22 =	vor.u32 s18, v11;
	s18 =	sadd.s32 $0xFFFFFC00, s15;
	v14 =	vadd.s32 s19, v15;
	v20 =	vld.idx.msk [tilespmem:v18+s3+$0x0], $0xffff  }
0x11f: {  	v24 =	vadd.s32 v10, v14;
	v23 =	vld.idx.msk [tilespmem:v12+s3+$0x0], $0xffff;
	v12 =	vor.u32 s18, v11  }
0x120: {  	v26 =	vadd.s32 v10, v13;
	s18 =	sadd.s32 $0xFFFFFE70, s16;
	v25 =	vld.idx.msk [tilespmem:v17+s3+$0x0], $0xffff  }
0x121: {  	v27 =	vor.u32 s15, v11;
	v13 =	vadd.s32 s18, v21;
	v14 =	vld.idx.msk [tilespmem:v16+s3+$0x0], $0xffff  }
.Ltmp1:
0x122: {  	s16 =	sadd.s32 $0xC80, s16;
	s18 =	sadd.s32 $0xFFFFF400, s15;
	v15 =	vadd.s32 v10, v13;
	[tilespmem:v19+s11+$0x0] =	vst.idx.add.f32.msk $0xffff, v9;
	(pc) =	sbr.rel @p0 .LBB2_5-.Ltmp1, $4  }
0x123: {  	s19 =	sadd.s32 $0xFFFFF510, s16;
	v18 =	vor.u32 s18, v11;
	v13 =	vld.idx.msk [tilespmem:v22+s3+$0x0], $0xffff  }
0x124: {  	s18 =	sadd.s32 $0xFFFFF6A0, s16;
	v16 =	vadd.s32 s19, v20;
	[tilespmem:v24+s11+$0x0] =	vst.idx.add.f32.msk $0xffff, v9  }
0x125: {  	v17 =	vadd.s32 v10, v16;
	v16 =	vadd.s32 s18, v23;
	s18 =	sadd.s32 $0xFFFFF830, s16;
	[tilespmem:v26+s11+$0x0] =	vst.idx.add.f32.msk $0xffff, v9  }
0x126: {  	v16 =	vadd.s32 v10, v16;
	v20 =	vadd.s32 s18, v25;
	s18 =	sadd.s32 $0xFFFFF9C0, s16;
	v19 =	vld.idx.msk [tilespmem:v27+s3+$0x0], $0xffff  }
0x127: {  	_ =	sdelay $0x3  }
0x128: {  	v11 =	vld.idx.msk [tilespmem:v18+s3+$0x0], $0xffff  }
0x129: {  	v12 =	vld.idx.msk [tilespmem:v12+s3+$0x0], $0xffff  }
0x12a: {  	v25 =	vadd.s32 v10, v20;
	v14 =	vadd.s32 s18, v14;
	s30 =	sadd.s32 $0xFFFFFCE0, s16  }
0x12b: {  	v14 =	vadd.s32 v10, v14;
	v13 =	vadd.s32 s30, v13  }
0x12c: {  	s15 =	sadd.s32 $0xFFFFFB50, s16;
	[tilespmem:v15+s11+$0x0] =	vst.idx.add.f32.msk $0xffff, v9;
	v13 =	vadd.s32 v10, v13;
	v19 =	vadd.s32 s16, v19  }
0x12d: {  	[tilespmem:v17+s11+$0x0] =	vst.idx.add.f32.msk $0xffff, v9;
	s31 =	sadd.s32 $0xFFFFFE70, s16;
	v11 =	vadd.s32 s15, v11;
	v26 =	vadd.s32 v10, v19  }
0x12e: {  	[tilespmem:v16+s11+$0x0] =	vst.idx.add.f32.msk $0xffff, v9;
	s13 =	sadd.s32 $0x1, s13;
	v12 =	vadd.s32 s31, v12;
	v11 =	vadd.s32 v10, v11  }
0x12f: {  	p0 =	sne.s32 s13, $0x40;
	[tilespmem:v25+s11+$0x0] =	vst.idx.add.f32.msk $0xffff, v9;
	v10 =	vadd.s32 v10, v12  }
.Ltmp2:
0x130: {  	[tilespmem:v14+s11+$0x0] =	vst.idx.add.f32.msk $0xffff, v9;
	(pc) =	sbr.rel @p0 .LBB2_4-.Ltmp2, $4  }
0x131: {  	[tilespmem:v13+s11+$0x0] =	vst.idx.add.f32.msk $0xffff, v9  }
0x132: {  	[tilespmem:v26+s11+$0x0] =	vst.idx.add.f32.msk $0xffff, v9  }
0x133: {  	[tilespmem:v11+s11+$0x0] =	vst.idx.add.f32.msk $0xffff, v9  }
0x134: {  	s14 =	sadd.s32 $0x1, s14;
	[tilespmem:v10+s11+$0x0] =	vst.idx.add.f32.msk $0xffff, v9  }
0x135: {  	s12 =	sadd.s32 $0x1, s12  }
0x136: {  	p0 =	sne.s32 s12, s6  }
.Ltmp3:
0x137: {  	_ = 	snop;
	(pc) =	sbr.rel @p0 .LBB2_1-.Ltmp3, $4  }
0x138: {  	[hbm4b:s5+s3] =	stream.linear.scatter [tilespmem:s11], [sflag:$0x2], $0x6400, $0x38;
	[tilespmem:$0x16900] =	vst v63  }
0x139: {  	_ =	swait.ge [sflag:s8], $0x6400  }
0x13a: {  	[sflag:s8] =	ssyncset.done $0x0  }
0x13b: {  	[sflag:s8] =	ssyncadd.s32 $0xFFFF9C00  }
0x13c: {  	_ =	sfence.sel $0x180000  }
0x13d: {  	[bflag:$0x0] =	sbarrier.arrive $0xFFFF  }
0x13e: {  	p0 =	sne.s32 s2, $0x0;
	_ =	strace $0x90000047  }
0x13f: {  	s0 =	sadd.s32 @!p0 $0x100000, s1;
	[bflag:$0x2] =	sbarrier.arrive $0xFFFF  }
0x140: {  	[sflag:s0] =	ssyncadd.tile.s32 @!p0 $0x1;
	_ =	shalt  }
.Lfunc_end2:
_tile_overlayer_lowered:
.L_overlay_start_2:
0x141: {  	(tag) =	ssettag $0x2  }
0x142: {  	s0 =	rddreg [dreg:$0x0];
	s2 =	stileid.u32  }
0x143: {  	s1 =	rddreg [dreg:$0x1];
	p0 =	sne.s32 s2, $0x0  }
0x144: {  	s3 =	rddreg [dreg:$0x2];
	[bflag:$0x3] =	sbarrier.arrive $0xFFFF;
	s2 =	simm.s32 @!p0 $0x1C02  }
0x145: {  	[timem:s3], [sflag:s2] =	dma.local @!p0 [hbm:s0], s1  }
0x146: {  	s0 =	simm.s32 @!p0 $0x2  }
0x147: {  	_ =	swait.ge @!p0 [sflag:s0], s1  }
0x148: {  	s1 =	ssub.s32 @!p0 $0x0, s1;
	[sflag:s0] =	ssyncset.done @!p0 $0x0  }
0x149: {  	[sflag:s0] =	ssyncadd.s32 @!p0 s1  }
0x14a: {  	[bflag:$0x3] =	sbarrier.arrive $0xFFFF  }
0x14b: {  	_ =	shalt  }

</sc_bundles>
